<compile_context>
chip_gen: v7x
topology: tpu7x:2x2x1
jax: 0.10.2.dev20260603
libtpu: 0.0.44.dev20260713+nightly
codegen_flags: <defaults>
</compile_context>

<pallas_src>
import jax
import jax.numpy as jnp
from jax import lax
from jax.experimental import pallas as pl
from jax.experimental.pallas import tpu as pltpu
from jax.experimental.pallas import tpu_sc as plsc

_B, _T = 64, 576
_VOCAB, _D = 32, 128
_K = 1024
_BETA = 0.25
_NTOK = _B * _T
_XR = _NTOK // _D
_NC, _NS = 2, 16
_NW = _NC * _NS
_RPW = _XR // _NW
_L = 16


def _tc_body(x_ref, e_ref, c_ref, q32_ref, best_ref, loss_ref, perp_ref,
             q32r_ref):
    E = e_ref[...]
    C = c_ref[...]
    CT = C.T
    M = jnp.dot(E, CT, preferred_element_type=jnp.float32)
    e2 = jnp.sum(E * E, axis=1, keepdims=True)
    c2 = jnp.sum(CT * CT, axis=0, keepdims=True)
    d = e2 - 2.0 * M + c2
    dmin = jnp.min(d, axis=1, keepdims=True)
    kio = lax.broadcasted_iota(jnp.int32, (_VOCAB, _K), 1)
    best = jnp.min(jnp.where(d == dmin, kio, _K), axis=1, keepdims=True)
    oh = (kio == best).astype(jnp.float32)
    q32 = jnp.dot(oh, C, preferred_element_type=jnp.float32)
    q32_ref[...] = q32
    best_ref[...] = best
    ohr = (lax.broadcasted_iota(jnp.int32, (_K, _VOCAB), 0) % _VOCAB
           == lax.broadcasted_iota(jnp.int32, (_K, _VOCAB), 1))
    q32r_ref[...] = jnp.dot(ohr.astype(jnp.float32), q32,
                            preferred_element_type=jnp.float32)
    diff = E - q32
    err = jnp.sum(diff * diff, axis=1, keepdims=True)

    xb = x_ref[...]
    cnts = []
    for v in range(_VOCAB):
        m = (xb == v).astype(jnp.float32)
        cnts.append(jnp.sum(m, axis=(0, 1), keepdims=True))
    counts = jnp.concatenate(cnts, axis=0)

    counts_k = lax.dot_general(counts, oh, (((0,), (0,)), ((), ())),
                               preferred_element_type=jnp.float32)
    total = jnp.sum(counts_k)
    probs = counts_k / total
    perp = jnp.exp(-jnp.sum(probs * jnp.log(probs + 1e-10)))
    loss = (1.0 + _BETA) * jnp.sum(counts * err) / (_NTOK * _D)
    loss_ref[...] = jnp.full((1, 1), 0.0) + loss
    perp_ref[...] = jnp.full((1, 1), 0.0) + perp


_TPW = _NTOK // _NW
_GPC = 128 // _L


def _sc_body(x_ref, q32_ref, best_ref, q_ref, idx_ref,
             xv, bestv, stage0, stage1, stage2, stage3, stage4, stage5, idxo,
             lsem, isem, gsem0, gsem1, gsem2, gsem3, gsem4, gsem5,
             wsem0, wsem1, wsem2, wsem3, wsem4, wsem5):
    c = lax.axis_index("c")
    s = lax.axis_index("s")
    w = s * _NC + c
    tbase = w * _TPW
    cpx = pltpu.async_copy(x_ref.at[pl.ds(tbase, _TPW)], xv, lsem)
    cpb = pltpu.async_copy(best_ref, bestv, lsem)
    cpx.wait()
    cpb.wait()

    stages = (stage0, stage1, stage2, stage3, stage4, stage5)
    gsems = (gsem0, gsem1, gsem2, gsem3, gsem4, gsem5)
    wsems = (wsem0, wsem1, wsem2, wsem3, wsem4, wsem5)
    gdesc = [None] * 6
    wdesc = [None] * 6

    def gather(ch):
        b = ch % 6
        if wdesc[b] is not None:
            wdesc[b].wait()
        gdesc[b] = pltpu.async_copy(
            q32_ref.at[pl.ds(w * _VOCAB, _VOCAB)]
            .at[xv.at[pl.ds(ch * 128, 128)]],
            stages[b], gsems[b])

    def writeout(pch):
        b = pch % 6
        gdesc[b].wait()
        wdesc[b] = pltpu.async_copy(
            stages[b], q_ref.at[pl.ds(tbase + pch * 128, 128)], wsems[b])

    for ch in range(5):
        gather(ch)

    for g in range(_TPW // _L):
        ids = xv[pl.ds(g * _L, _L)]
        idxo[pl.ds(g * _L, _L)] = plsc.load_gather(bestv, [ids])
    cpi = pltpu.async_copy(idxo, idx_ref.at[pl.ds(tbase, _TPW)], isem)

    for ch in range(5, _RPW + 5):
        writeout(ch - 5)
        if ch < _RPW:
            gather(ch)
    for b in range(6):
        if wdesc[b] is not None:
            wdesc[b].wait()
    cpi.wait()


_sc_call = pl.kernel(
    _sc_body,
    out_type=[
        jax.ShapeDtypeStruct((_NTOK, _D), jnp.float32),
        jax.ShapeDtypeStruct((_NTOK,), jnp.int32),
    ],
    mesh=plsc.VectorSubcoreMesh(core_axis_name="c", subcore_axis_name="s",
                                num_cores=_NC, num_subcores=_NS),
    compiler_params=pltpu.CompilerParams(needs_layout_passes=False),
    scratch_types=[
        pltpu.VMEM((_TPW,), jnp.int32),
        pltpu.VMEM((_VOCAB,), jnp.int32),
        pltpu.VMEM((128, _D), jnp.float32),
        pltpu.VMEM((128, _D), jnp.float32),
        pltpu.VMEM((128, _D), jnp.float32),
        pltpu.VMEM((128, _D), jnp.float32),
        pltpu.VMEM((128, _D), jnp.float32),
        pltpu.VMEM((128, _D), jnp.float32),
        pltpu.VMEM((_TPW,), jnp.int32),
    ] + [pltpu.SemaphoreType.DMA] * 14,
)


def kernel(x, embed_table, codebook):
    x = x.astype(jnp.int32)
    q32, best, loss, perp, q32r = pl.pallas_call(
        _tc_body,
        out_shape=[
            jax.ShapeDtypeStruct((_VOCAB, _D), jnp.float32),
            jax.ShapeDtypeStruct((_VOCAB, 1), jnp.int32),
            jax.ShapeDtypeStruct((1, 1), jnp.float32),
            jax.ShapeDtypeStruct((1, 1), jnp.float32),
            jax.ShapeDtypeStruct((_K, _D), jnp.float32),
        ],
    )(x, embed_table, codebook)
    q_flat, idx_flat = _sc_call(x.reshape(_NTOK), q32r, best.reshape(_VOCAB))
    q_st = q_flat.reshape(_B, _T, _D)
    indices = idx_flat.reshape(_B, _T)
    return (q_st, loss.reshape(()), perp.reshape(()), indices)

# --- scband reference (transcript-rebuilt; emitter-appended) ---
"""Pipeline reference for scband-net-35588099015121 (READ-ONLY COPY).

The authoritative reference and input builder live on the scoring server;
editing this copy changes nothing except your own understanding.
"""

import jax, jax.numpy as jnp
import numpy as np

B, T = 64, 576
VOCAB, D = 32, 128
K = 1024
BETA = 0.25

def setup_inputs(seed: int = 0) -> dict:
    key = jax.random.key(seed)
    k1, k2, k3 = jax.random.split(key, 3)
    x = jax.random.randint(k1, (B, T), 0, VOCAB)
    embed_table = jax.random.normal(k2, (VOCAB, D), dtype=jnp.float32)
    codebook = jax.random.normal(k3, (K, D), dtype=jnp.float32) * 0.02
    return {"x": x, "embed_table": embed_table, "codebook": codebook}

def reference(x, embed_table, codebook):
    # Net.__call__: x = self.embed(x); q, info = self.vq(x, train=True)
    z = jnp.take(embed_table, x, axis=0)  # [B, T, D] embedding lookup
    flat = z.reshape(-1, z.shape[-1])  # [B*T, D]
    # squared L2 distance to every code: ||z||^2 - 2 z C^T + ||C||^2
    d = (jnp.sum(flat ** 2, axis=1, keepdims=True)
         - 2.0 * flat @ codebook.T
         + jnp.sum(codebook ** 2, axis=1)[None, :])  # [B*T, K]
    idx = jnp.argmin(d, axis=1)  # [B*T]
    q = jnp.take(codebook, idx, axis=0).reshape(z.shape)  # [B, T, D]
    codebook_loss = jnp.mean((jax.lax.stop_gradient(z) - q) ** 2)
    commitment_loss = jnp.mean((z - jax.lax.stop_gradient(q)) ** 2)
    vq_loss = codebook_loss + BETA * commitment_loss
    # straight-through estimator
    q_st = z + jax.lax.stop_gradient(q - z)
    # perplexity (usage info)
    counts = jnp.bincount(idx, length=K).astype(jnp.float32)
    probs = counts / counts.sum()
    perplexity = jnp.exp(-jnp.sum(probs * jnp.log(probs + 1e-10)))
    indices = idx.reshape(x.shape)
    return (q_st, vq_loss, perplexity, indices)

if __name__ == "__main__":
    import jax
    _d = setup_inputs()
    print(jax.jit(kernel)(*tuple(_d.values())))

</pallas_src>

<mosaic_0001>
#map = affine_map<(d0, d1) -> (0)>
#map1 = affine_map<(d0, d1) -> (0, 0)>
module attributes {stable_mosaic.version = 14 : i64} {
  func.func @_sc_body(%arg0: i32, %arg1: i32, %arg2: memref<36864xi32, #tpu.memory_space<hbm>>, %arg3: memref<1024x128xf32, #tpu.memory_space<hbm>>, %arg4: memref<32xi32, #tpu.memory_space<hbm>>, %arg5: memref<36864x128xf32, #tpu.memory_space<hbm>>, %arg6: memref<36864xi32, #tpu.memory_space<hbm>>, %arg7: memref<1152xi32, #tpu.memory_space<vmem>>, %arg8: memref<32xi32, #tpu.memory_space<vmem>>, %arg9: memref<128x128xf32, #tpu.memory_space<vmem>>, %arg10: memref<128x128xf32, #tpu.memory_space<vmem>>, %arg11: memref<128x128xf32, #tpu.memory_space<vmem>>, %arg12: memref<128x128xf32, #tpu.memory_space<vmem>>, %arg13: memref<128x128xf32, #tpu.memory_space<vmem>>, %arg14: memref<128x128xf32, #tpu.memory_space<vmem>>, %arg15: memref<1152xi32, #tpu.memory_space<vmem>>, %arg16: memref<!tpu.dma_semaphore, #tpu.memory_space<semaphore_mem>>, %arg17: memref<!tpu.dma_semaphore, #tpu.memory_space<semaphore_mem>>, %arg18: memref<!tpu.dma_semaphore, #tpu.memory_space<semaphore_mem>>, %arg19: memref<!tpu.dma_semaphore, #tpu.memory_space<semaphore_mem>>, %arg20: memref<!tpu.dma_semaphore, #tpu.memory_space<semaphore_mem>>, %arg21: memref<!tpu.dma_semaphore, #tpu.memory_space<semaphore_mem>>, %arg22: memref<!tpu.dma_semaphore, #tpu.memory_space<semaphore_mem>>, %arg23: memref<!tpu.dma_semaphore, #tpu.memory_space<semaphore_mem>>, %arg24: memref<!tpu.dma_semaphore, #tpu.memory_space<semaphore_mem>>, %arg25: memref<!tpu.dma_semaphore, #tpu.memory_space<semaphore_mem>>, %arg26: memref<!tpu.dma_semaphore, #tpu.memory_space<semaphore_mem>>, %arg27: memref<!tpu.dma_semaphore, #tpu.memory_space<semaphore_mem>>, %arg28: memref<!tpu.dma_semaphore, #tpu.memory_space<semaphore_mem>>, %arg29: memref<!tpu.dma_semaphore, #tpu.memory_space<semaphore_mem>>) attributes {dimension_semantics = [#tpu.dimension_semantics<core_parallel>, #tpu.dimension_semantics<subcore_parallel>], iteration_bounds = array<i64: 2, 16>, scalar_prefetch = 0 : i64, scratch_operands = 23 : i64, tpu.core_type = #tpu.core_type<sc_vector_subcore>, window_params = [{transform_indices = #map}, {transform_indices = #map1}, {transform_indices = #map}, {transform_indices = #map1}, {transform_indices = #map}]} {
    %mul3A = arith.constant 2 : i32
    %mul3A_0 = arith.muli %arg1, %mul3A : i32
    %add3A = arith.addi %mul3A_0, %arg0 : i32
    %mul3A_1 = arith.constant 1152 : i32
    %mul3A_2 = arith.muli %add3A, %mul3A_1 : i32
    %dma_start3A = tpu.memref_slice %arg2[%mul3A_2] : memref<36864xi32, #tpu.memory_space<hbm>> -> memref<1152xi32, #tpu.memory_space<hbm>>
    %dma_start3A_3 = tpu.memref_slice %arg2[%mul3A_2] : memref<36864xi32, #tpu.memory_space<hbm>> -> memref<1152xi32, #tpu.memory_space<hbm>>
    tpu.enqueue_dma source(%dma_start3A_3 : memref<1152xi32, #tpu.memory_space<hbm>>) target(%arg7 : memref<1152xi32, #tpu.memory_space<vmem>>) target_semaphore(%arg16 : memref<!tpu.dma_semaphore, #tpu.memory_space<semaphore_mem>>)
    tpu.enqueue_dma source(%arg4 : memref<32xi32, #tpu.memory_space<hbm>>) target(%arg8 : memref<32xi32, #tpu.memory_space<vmem>>) target_semaphore(%arg16 : memref<!tpu.dma_semaphore, #tpu.memory_space<semaphore_mem>>)
    %dma_wait3A = tpu.memref_slice %arg2[%mul3A_2] : memref<36864xi32, #tpu.memory_space<hbm>> -> memref<1152xi32, #tpu.memory_space<hbm>>
    %dma_wait3A_4 = tpu.memref_slice %arg2[%mul3A_2] : memref<36864xi32, #tpu.memory_space<hbm>> -> memref<1152xi32, #tpu.memory_space<hbm>>
    tpu.wait_dma2 semaphore(%arg16 : memref<!tpu.dma_semaphore, #tpu.memory_space<semaphore_mem>>) src(%dma_wait3A_4 : memref<1152xi32, #tpu.memory_space<hbm>>) dst(%arg7 : memref<1152xi32, #tpu.memory_space<vmem>>)
    tpu.wait_dma2 semaphore(%arg16 : memref<!tpu.dma_semaphore, #tpu.memory_space<semaphore_mem>>) src(%arg4 : memref<32xi32, #tpu.memory_space<hbm>>) dst(%arg8 : memref<32xi32, #tpu.memory_space<vmem>>)
    %mul3A_5 = arith.constant 32 : i32
    %mul3A_6 = arith.muli %add3A, %mul3A_5 : i32
    %dma_start3A_7 = arith.constant 0 : i32
    %dma_start3A_8 = tpu.memref_slice %arg7[%dma_start3A_7] : memref<1152xi32, #tpu.memory_space<vmem>> -> memref<128xi32, #tpu.memory_space<vmem>>
    %dma_start3A_9 = arith.constant 0 : i32
    %dma_start3A_10 = tpu.memref_slice %arg3[%mul3A_6, %dma_start3A_9] : memref<1024x128xf32, #tpu.memory_space<hbm>> -> memref<32x128xf32, #tpu.memory_space<hbm>>
    %dma_start3A_11 = arith.constant 0 : i32
    %dma_start3A_12 = arith.constant 0 : i32
    %dma_start3A_13 = tpu.memref_slice %dma_start3A_10[%dma_start3A_11, %dma_start3A_12] : memref<32x128xf32, #tpu.memory_space<hbm>> -> memref<32x128xf32, #tpu.memory_space<hbm>>
    tpu.enqueue_indirect_dma source(%dma_start3A_13 : memref<32x128xf32, #tpu.memory_space<hbm>>) target(%arg9 : memref<128x128xf32, #tpu.memory_space<vmem>>) offsets(%dma_start3A_8 : memref<128xi32, #tpu.memory_space<vmem>>) semaphore(%arg18 : memref<!tpu.dma_semaphore, #tpu.memory_space<semaphore_mem>>)
    %mul3A_14 = arith.constant 32 : i32
    %mul3A_15 = arith.muli %add3A, %mul3A_14 : i32
    %dma_start3A_16 = arith.constant 128 : i32
    %dma_start3A_17 = tpu.memref_slice %arg7[%dma_start3A_16] : memref<1152xi32, #tpu.memory_space<vmem>> -> memref<128xi32, #tpu.memory_space<vmem>>
    %dma_start3A_18 = arith.constant 0 : i32
    %dma_start3A_19 = tpu.memref_slice %arg3[%mul3A_15, %dma_start3A_18] : memref<1024x128xf32, #tpu.memory_space<hbm>> -> memref<32x128xf32, #tpu.memory_space<hbm>>
    %dma_start3A_20 = arith.constant 0 : i32
    %dma_start3A_21 = arith.constant 0 : i32
    %dma_start3A_22 = tpu.memref_slice %dma_start3A_19[%dma_start3A_20, %dma_start3A_21] : memref<32x128xf32, #tpu.memory_space<hbm>> -> memref<32x128xf32, #tpu.memory_space<hbm>>
    tpu.enqueue_indirect_dma source(%dma_start3A_22 : memref<32x128xf32, #tpu.memory_space<hbm>>) target(%arg10 : memref<128x128xf32, #tpu.memory_space<vmem>>) offsets(%dma_start3A_17 : memref<128xi32, #tpu.memory_space<vmem>>) semaphore(%arg19 : memref<!tpu.dma_semaphore, #tpu.memory_space<semaphore_mem>>)
    %mul3A_23 = arith.constant 32 : i32
    %mul3A_24 = arith.muli %add3A, %mul3A_23 : i32
    %dma_start3A_25 = arith.constant 256 : i32
    %dma_start3A_26 = tpu.memref_slice %arg7[%dma_start3A_25] : memref<1152xi32, #tpu.memory_space<vmem>> -> memref<128xi32, #tpu.memory_space<vmem>>
    %dma_start3A_27 = arith.constant 0 : i32
    %dma_start3A_28 = tpu.memref_slice %arg3[%mul3A_24, %dma_start3A_27] : memref<1024x128xf32, #tpu.memory_space<hbm>> -> memref<32x128xf32, #tpu.memory_space<hbm>>
    %dma_start3A_29 = arith.constant 0 : i32
    %dma_start3A_30 = arith.constant 0 : i32
    %dma_start3A_31 = tpu.memref_slice %dma_start3A_28[%dma_start3A_29, %dma_start3A_30] : memref<32x128xf32, #tpu.memory_space<hbm>> -> memref<32x128xf32, #tpu.memory_space<hbm>>
    tpu.enqueue_indirect_dma source(%dma_start3A_31 : memref<32x128xf32, #tpu.memory_space<hbm>>) target(%arg11 : memref<128x128xf32, #tpu.memory_space<vmem>>) offsets(%dma_start3A_26 : memref<128xi32, #tpu.memory_space<vmem>>) semaphore(%arg20 : memref<!tpu.dma_semaphore, #tpu.memory_space<semaphore_mem>>)
    %mul3A_32 = arith.constant 32 : i32
    %mul3A_33 = arith.muli %add3A, %mul3A_32 : i32
    %dma_start3A_34 = arith.constant 384 : i32
    %dma_start3A_35 = tpu.memref_slice %arg7[%dma_start3A_34] : memref<1152xi32, #tpu.memory_space<vmem>> -> memref<128xi32, #tpu.memory_space<vmem>>
    %dma_start3A_36 = arith.constant 0 : i32
    %dma_start3A_37 = tpu.memref_slice %arg3[%mul3A_33, %dma_start3A_36] : memref<1024x128xf32, #tpu.memory_space<hbm>> -> memref<32x128xf32, #tpu.memory_space<hbm>>
    %dma_start3A_38 = arith.constant 0 : i32
    %dma_start3A_39 = arith.constant 0 : i32
    %dma_start3A_40 = tpu.memref_slice %dma_start3A_37[%dma_start3A_38, %dma_start3A_39] : memref<32x128xf32, #tpu.memory_space<hbm>> -> memref<32x128xf32, #tpu.memory_space<hbm>>
    tpu.enqueue_indirect_dma source(%dma_start3A_40 : memref<32x128xf32, #tpu.memory_space<hbm>>) target(%arg12 : memref<128x128xf32, #tpu.memory_space<vmem>>) offsets(%dma_start3A_35 : memref<128xi32, #tpu.memory_space<vmem>>) semaphore(%arg21 : memref<!tpu.dma_semaphore, #tpu.memory_space<semaphore_mem>>)
    %mul3A_41 = arith.constant 32 : i32
    %mul3A_42 = arith.muli %add3A, %mul3A_41 : i32
    %dma_start3A_43 = arith.constant 512 : i32
    %dma_start3A_44 = tpu.memref_slice %arg7[%dma_start3A_43] : memref<1152xi32, #tpu.memory_space<vmem>> -> memref<128xi32, #tpu.memory_space<vmem>>
    %dma_start3A_45 = arith.constant 0 : i32
    %dma_start3A_46 = tpu.memref_slice %arg3[%mul3A_42, %dma_start3A_45] : memref<1024x128xf32, #tpu.memory_space<hbm>> -> memref<32x128xf32, #tpu.memory_space<hbm>>
    %dma_start3A_47 = arith.constant 0 : i32
    %dma_start3A_48 = arith.constant 0 : i32
    %dma_start3A_49 = tpu.memref_slice %dma_start3A_46[%dma_start3A_47, %dma_start3A_48] : memref<32x128xf32, #tpu.memory_space<hbm>> -> memref<32x128xf32, #tpu.memory_space<hbm>>
    tpu.enqueue_indirect_dma source(%dma_start3A_49 : memref<32x128xf32, #tpu.memory_space<hbm>>) target(%arg13 : memref<128x128xf32, #tpu.memory_space<vmem>>) offsets(%dma_start3A_44 : memref<128xi32, #tpu.memory_space<vmem>>) semaphore(%arg22 : memref<!tpu.dma_semaphore, #tpu.memory_space<semaphore_mem>>)
    %get3A = arith.constant 0 : index
    %get3A_50 = tpu.vector_load %arg7[%get3A] {strides = array<i32>} : memref<1152xi32, #tpu.memory_space<vmem>>, vector<16xi32>,
    %gather3A = tpu.vector_load_idx %arg8[%get3A_50] : memref<32xi32, #tpu.memory_space<vmem>>[vector<16xi32>], vector<16xi32>,
    %swap3A = arith.constant 0 : index
    %swap3A_51 = tpu.vector_load %arg15[%swap3A] {strides = array<i32>} : memref<1152xi32, #tpu.memory_space<vmem>>, vector<16xi32>,
    tpu.vector_store %arg15[%swap3A], %gather3A {strides = array<i32>} : memref<1152xi32, #tpu.memory_space<vmem>>, vector<16xi32>,
    %get3A_52 = arith.constant 16 : index
    %get3A_53 = tpu.vector_load %arg7[%get3A_52] {strides = array<i32>} : memref<1152xi32, #tpu.memory_space<vmem>>, vector<16xi32>,
    %gather3A_54 = tpu.vector_load_idx %arg8[%get3A_53] : memref<32xi32, #tpu.memory_space<vmem>>[vector<16xi32>], vector<16xi32>,
    %swap3A_55 = arith.constant 16 : index
    %swap3A_56 = tpu.vector_load %arg15[%swap3A_55] {strides = array<i32>} : memref<1152xi32, #tpu.memory_space<vmem>>, vector<16xi32>,
    tpu.vector_store %arg15[%swap3A_55], %gather3A_54 {strides = array<i32>} : memref<1152xi32, #tpu.memory_space<vmem>>, vector<16xi32>,
    %get3A_57 = arith.constant 32 : index
    %get3A_58 = tpu.vector_load %arg7[%get3A_57] {strides = array<i32>} : memref<1152xi32, #tpu.memory_space<vmem>>, vector<16xi32>,
    %gather3A_59 = tpu.vector_load_idx %arg8[%get3A_58] : memref<32xi32, #tpu.memory_space<vmem>>[vector<16xi32>], vector<16xi32>,
    %swap3A_60 = arith.constant 32 : index
    %swap3A_61 = tpu.vector_load %arg15[%swap3A_60] {strides = array<i32>} : memref<1152xi32, #tpu.memory_space<vmem>>, vector<16xi32>,
    tpu.vector_store %arg15[%swap3A_60], %gather3A_59 {strides = array<i32>} : memref<1152xi32, #tpu.memory_space<vmem>>, vector<16xi32>,
    %get3A_62 = arith.constant 48 : index
    %get3A_63 = tpu.vector_load %arg7[%get3A_62] {strides = array<i32>} : memref<1152xi32, #tpu.memory_space<vmem>>, vector<16xi32>,
    %gather3A_64 = tpu.vector_load_idx %arg8[%get3A_63] : memref<32xi32, #tpu.memory_space<vmem>>[vector<16xi32>], vector<16xi32>,
    %swap3A_65 = arith.constant 48 : index
    %swap3A_66 = tpu.vector_load %arg15[%swap3A_65] {strides = array<i32>} : memref<1152xi32, #tpu.memory_space<vmem>>, vector<16xi32>,
    tpu.vector_store %arg15[%swap3A_65], %gather3A_64 {strides = array<i32>} : memref<1152xi32, #tpu.memory_space<vmem>>, vector<16xi32>,
    %get3A_67 = arith.constant 64 : index
    %get3A_68 = tpu.vector_load %arg7[%get3A_67] {strides = array<i32>} : memref<1152xi32, #tpu.memory_space<vmem>>, vector<16xi32>,
    %gather3A_69 = tpu.vector_load_idx %arg8[%get3A_68] : memref<32xi32, #tpu.memory_space<vmem>>[vector<16xi32>], vector<16xi32>,
    %swap3A_70 = arith.constant 64 : index
    %swap3A_71 = tpu.vector_load %arg15[%swap3A_70] {strides = array<i32>} : memref<1152xi32, #tpu.memory_space<vmem>>, vector<16xi32>,
    tpu.vector_store %arg15[%swap3A_70], %gather3A_69 {strides = array<i32>} : memref<1152xi32, #tpu.memory_space<vmem>>, vector<16xi32>,
    %get3A_72 = arith.constant 80 : index
    %get3A_73 = tpu.vector_load %arg7[%get3A_72] {strides = array<i32>} : memref<1152xi32, #tpu.memory_space<vmem>>, vector<16xi32>,
    %gather3A_74 = tpu.vector_load_idx %arg8[%get3A_73] : memref<32xi32, #tpu.memory_space<vmem>>[vector<16xi32>], vector<16xi32>,
    %swap3A_75 = arith.constant 80 : index
    %swap3A_76 = tpu.vector_load %arg15[%swap3A_75] {strides = array<i32>} : memref<1152xi32, #tpu.memory_space<vmem>>, vector<16xi32>,
    tpu.vector_store %arg15[%swap3A_75], %gather3A_74 {strides = array<i32>} : memref<1152xi32, #tpu.memory_space<vmem>>, vector<16xi32>,
    %get3A_77 = arith.constant 96 : index
    %get3A_78 = tpu.vector_load %arg7[%get3A_77] {strides = array<i32>} : memref<1152xi32, #tpu.memory_space<vmem>>, vector<16xi32>,
    %gather3A_79 = tpu.vector_load_idx %arg8[%get3A_78] : memref<32xi32, #tpu.memory_space<vmem>>[vector<16xi32>], vector<16xi32>,
    %swap3A_80 = arith.constant 96 : index
    %swap3A_81 = tpu.vector_load %arg15[%swap3A_80] {strides = array<i32>} : memref<1152xi32, #tpu.memory_space<vmem>>, vector<16xi32>,
    tpu.vector_store %arg15[%swap3A_80], %gather3A_79 {strides = array<i32>} : memref<1152xi32, #tpu.memory_space<vmem>>, vector<16xi32>,
    %get3A_82 = arith.constant 112 : index
    %get3A_83 = tpu.vector_load %arg7[%get3A_82] {strides = array<i32>} : memref<1152xi32, #tpu.memory_space<vmem>>, vector<16xi32>,
    %gather3A_84 = tpu.vector_load_idx %arg8[%get3A_83] : memref<32xi32, #tpu.memory_space<vmem>>[vector<16xi32>], vector<16xi32>,
    %swap3A_85 = arith.constant 112 : index
    %swap3A_86 = tpu.vector_load %arg15[%swap3A_85] {strides = array<i32>} : memref<1152xi32, #tpu.memory_space<vmem>>, vector<16xi32>,
    tpu.vector_store %arg15[%swap3A_85], %gather3A_84 {strides = array<i32>} : memref<1152xi32, #tpu.memory_space<vmem>>, vector<16xi32>,
    %get3A_87 = arith.constant 128 : index
    %get3A_88 = tpu.vector_load %arg7[%get3A_87] {strides = array<i32>} : memref<1152xi32, #tpu.memory_space<vmem>>, vector<16xi32>,
    %gather3A_89 = tpu.vector_load_idx %arg8[%get3A_88] : memref<32xi32, #tpu.memory_space<vmem>>[vector<16xi32>], vector<16xi32>,
    %swap3A_90 = arith.constant 128 : index
    %swap3A_91 = tpu.vector_load %arg15[%swap3A_90] {strides = array<i32>} : memref<1152xi32, #tpu.memory_space<vmem>>, vector<16xi32>,
    tpu.vector_store %arg15[%swap3A_90], %gather3A_89 {strides = array<i32>} : memref<1152xi32, #tpu.memory_space<vmem>>, vector<16xi32>,
    %get3A_92 = arith.constant 144 : index
    %get3A_93 = tpu.vector_load %arg7[%get3A_92] {strides = array<i32>} : memref<1152xi32, #tpu.memory_space<vmem>>, vector<16xi32>,
    %gather3A_94 = tpu.vector_load_idx %arg8[%get3A_93] : memref<32xi32, #tpu.memory_space<vmem>>[vector<16xi32>], vector<16xi32>,
    %swap3A_95 = arith.constant 144 : index
    %swap3A_96 = tpu.vector_load %arg15[%swap3A_95] {strides = array<i32>} : memref<1152xi32, #tpu.memory_space<vmem>>, vector<16xi32>,
    tpu.vector_store %arg15[%swap3A_95], %gather3A_94 {strides = array<i32>} : memref<1152xi32, #tpu.memory_space<vmem>>, vector<16xi32>,
    %get3A_97 = arith.constant 160 : index
    %get3A_98 = tpu.vector_load %arg7[%get3A_97] {strides = array<i32>} : memref<1152xi32, #tpu.memory_space<vmem>>, vector<16xi32>,
    %gather3A_99 = tpu.vector_load_idx %arg8[%get3A_98] : memref<32xi32, #tpu.memory_space<vmem>>[vector<16xi32>], vector<16xi32>,
    %swap3A_100 = arith.constant 160 : index
    %swap3A_101 = tpu.vector_load %arg15[%swap3A_100] {strides = array<i32>} : memref<1152xi32, #tpu.memory_space<vmem>>, vector<16xi32>,
    tpu.vector_store %arg15[%swap3A_100], %gather3A_99 {strides = array<i32>} : memref<1152xi32, #tpu.memory_space<vmem>>, vector<16xi32>,
    %get3A_102 = arith.constant 176 : index
    %get3A_103 = tpu.vector_load %arg7[%get3A_102] {strides = array<i32>} : memref<1152xi32, #tpu.memory_space<vmem>>, vector<16xi32>,
    %gather3A_104 = tpu.vector_load_idx %arg8[%get3A_103] : memref<32xi32, #tpu.memory_space<vmem>>[vector<16xi32>], vector<16xi32>,
    %swap3A_105 = arith.constant 176 : index
    %swap3A_106 = tpu.vector_load %arg15[%swap3A_105] {strides = array<i32>} : memref<1152xi32, #tpu.memory_space<vmem>>, vector<16xi32>,
    tpu.vector_store %arg15[%swap3A_105], %gather3A_104 {strides = array<i32>} : memref<1152xi32, #tpu.memory_space<vmem>>, vector<16xi32>,
    %get3A_107 = arith.constant 192 : index
    %get3A_108 = tpu.vector_load %arg7[%get3A_107] {strides = array<i32>} : memref<1152xi32, #tpu.memory_space<vmem>>, vector<16xi32>,
    %gather3A_109 = tpu.vector_load_idx %arg8[%get3A_108] : memref<32xi32, #tpu.memory_space<vmem>>[vector<16xi32>], vector<16xi32>,
    %swap3A_110 = arith.constant 192 : index
    %swap3A_111 = tpu.vector_load %arg15[%swap3A_110] {strides = array<i32>} : memref<1152xi32, #tpu.memory_space<vmem>>, vector<16xi32>,
    tpu.vector_store %arg15[%swap3A_110], %gather3A_109 {strides = array<i32>} : memref<1152xi32, #tpu.memory_space<vmem>>, vector<16xi32>,
    %get3A_112 = arith.constant 208 : index
    %get3A_113 = tpu.vector_load %arg7[%get3A_112] {strides = array<i32>} : memref<1152xi32, #tpu.memory_space<vmem>>, vector<16xi32>,
    %gather3A_114 = tpu.vector_load_idx %arg8[%get3A_113] : memref<32xi32, #tpu.memory_space<vmem>>[vector<16xi32>], vector<16xi32>,
    %swap3A_115 = arith.constant 208 : index
    %swap3A_116 = tpu.vector_load %arg15[%swap3A_115] {strides = array<i32>} : memref<1152xi32, #tpu.memory_space<vmem>>, vector<16xi32>,
    tpu.vector_store %arg15[%swap3A_115], %gather3A_114 {strides = array<i32>} : memref<1152xi32, #tpu.memory_space<vmem>>, vector<16xi32>,
    %get3A_117 = arith.constant 224 : index
    %get3A_118 = tpu.vector_load %arg7[%get3A_117] {strides = array<i32>} : memref<1152xi32, #tpu.memory_space<vmem>>, vector<16xi32>,
    %gather3A_119 = tpu.vector_load_idx %arg8[%get3A_118] : memref<32xi32, #tpu.memory_space<vmem>>[vector<16xi32>], vector<16xi32>,
    %swap3A_120 = arith.constant 224 : index
    %swap3A_121 = tpu.vector_load %arg15[%swap3A_120] {strides = array<i32>} : memref<1152xi32, #tpu.memory_space<vmem>>, vector<16xi32>,
    tpu.vector_store %arg15[%swap3A_120], %gather3A_119 {strides = array<i32>} : memref<1152xi32, #tpu.memory_space<vmem>>, vector<16xi32>,
    %get3A_122 = arith.constant 240 : index
    %get3A_123 = tpu.vector_load %arg7[%get3A_122] {strides = array<i32>} : memref<1152xi32, #tpu.memory_space<vmem>>, vector<16xi32>,
    %gather3A_124 = tpu.vector_load_idx %arg8[%get3A_123] : memref<32xi32, #tpu.memory_space<vmem>>[vector<16xi32>], vector<16xi32>,
    %swap3A_125 = arith.constant 240 : index
    %swap3A_126 = tpu.vector_load %arg15[%swap3A_125] {strides = array<i32>} : memref<1152xi32, #tpu.memory_space<vmem>>, vector<16xi32>,
    tpu.vector_store %arg15[%swap3A_125], %gather3A_124 {strides = array<i32>} : memref<1152xi32, #tpu.memory_space<vmem>>, vector<16xi32>,
    %get3A_127 = arith.constant 256 : index
    %get3A_128 = tpu.vector_load %arg7[%get3A_127] {strides = array<i32>} : memref<1152xi32, #tpu.memory_space<vmem>>, vector<16xi32>,
    %gather3A_129 = tpu.vector_load_idx %arg8[%get3A_128] : memref<32xi32, #tpu.memory_space<vmem>>[vector<16xi32>], vector<16xi32>,
    %swap3A_130 = arith.constant 256 : index
    %swap3A_131 = tpu.vector_load %arg15[%swap3A_130] {strides = array<i32>} : memref<1152xi32, #tpu.memory_space<vmem>>, vector<16xi32>,
    tpu.vector_store %arg15[%swap3A_130], %gather3A_129 {strides = array<i32>} : memref<1152xi32, #tpu.memory_space<vmem>>, vector<16xi32>,
    %get3A_132 = arith.constant 272 : index
    %get3A_133 = tpu.vector_load %arg7[%get3A_132] {strides = array<i32>} : memref<1152xi32, #tpu.memory_space<vmem>>, vector<16xi32>,
    %gather3A_134 = tpu.vector_load_idx %arg8[%get3A_133] : memref<32xi32, #tpu.memory_space<vmem>>[vector<16xi32>], vector<16xi32>,
    %swap3A_135 = arith.constant 272 : index
    %swap3A_136 = tpu.vector_load %arg15[%swap3A_135] {strides = array<i32>} : memref<1152xi32, #tpu.memory_space<vmem>>, vector<16xi32>,
    tpu.vector_store %arg15[%swap3A_135], %gather3A_134 {strides = array<i32>} : memref<1152xi32, #tpu.memory_space<vmem>>, vector<16xi32>,
    %get3A_137 = arith.constant 288 : index
    %get3A_138 = tpu.vector_load %arg7[%get3A_137] {strides = array<i32>} : memref<1152xi32, #tpu.memory_space<vmem>>, vector<16xi32>,
    %gather3A_139 = tpu.vector_load_idx %arg8[%get3A_138] : memref<32xi32, #tpu.memory_space<vmem>>[vector<16xi32>], vector<16xi32>,
    %swap3A_140 = arith.constant 288 : index
    %swap3A_141 = tpu.vector_load %arg15[%swap3A_140] {strides = array<i32>} : memref<1152xi32, #tpu.memory_space<vmem>>, vector<16xi32>,
    tpu.vector_store %arg15[%swap3A_140], %gather3A_139 {strides = array<i32>} : memref<1152xi32, #tpu.memory_space<vmem>>, vector<16xi32>,
    %get3A_142 = arith.constant 304 : index
    %get3A_143 = tpu.vector_load %arg7[%get3A_142] {strides = array<i32>} : memref<1152xi32, #tpu.memory_space<vmem>>, vector<16xi32>,
    %gather3A_144 = tpu.vector_load_idx %arg8[%get3A_143] : memref<32xi32, #tpu.memory_space<vmem>>[vector<16xi32>], vector<16xi32>,
    %swap3A_145 = arith.constant 304 : index
    %swap3A_146 = tpu.vector_load %arg15[%swap3A_145] {strides = array<i32>} : memref<1152xi32, #tpu.memory_space<vmem>>, vector<16xi32>,
    tpu.vector_store %arg15[%swap3A_145], %gather3A_144 {strides = array<i32>} : memref<1152xi32, #tpu.memory_space<vmem>>, vector<16xi32>,
    %get3A_147 = arith.constant 320 : index
    %get3A_148 = tpu.vector_load %arg7[%get3A_147] {strides = array<i32>} : memref<1152xi32, #tpu.memory_space<vmem>>, vector<16xi32>,
    %gather3A_149 = tpu.vector_load_idx %arg8[%get3A_148] : memref<32xi32, #tpu.memory_space<vmem>>[vector<16xi32>], vector<16xi32>,
    %swap3A_150 = arith.constant 320 : index
    %swap3A_151 = tpu.vector_load %arg15[%swap3A_150] {strides = array<i32>} : memref<1152xi32, #tpu.memory_space<vmem>>, vector<16xi32>,
    tpu.vector_store %arg15[%swap3A_150], %gather3A_149 {strides = array<i32>} : memref<1152xi32, #tpu.memory_space<vmem>>, vector<16xi32>,
    %get3A_152 = arith.constant 336 : index
    %get3A_153 = tpu.vector_load %arg7[%get3A_152] {strides = array<i32>} : memref<1152xi32, #tpu.memory_space<vmem>>, vector<16xi32>,
    %gather3A_154 = tpu.vector_load_idx %arg8[%get3A_153] : memref<32xi32, #tpu.memory_space<vmem>>[vector<16xi32>], vector<16xi32>,
    %swap3A_155 = arith.constant 336 : index
    %swap3A_156 = tpu.vector_load %arg15[%swap3A_155] {strides = array<i32>} : memref<1152xi32, #tpu.memory_space<vmem>>, vector<16xi32>,
    tpu.vector_store %arg15[%swap3A_155], %gather3A_154 {strides = array<i32>} : memref<1152xi32, #tpu.memory_space<vmem>>, vector<16xi32>,
    %get3A_157 = arith.constant 352 : index
    %get3A_158 = tpu.vector_load %arg7[%get3A_157] {strides = array<i32>} : memref<1152xi32, #tpu.memory_space<vmem>>, vector<16xi32>,
    %gather3A_159 = tpu.vector_load_idx %arg8[%get3A_158] : memref<32xi32, #tpu.memory_space<vmem>>[vector<16xi32>], vector<16xi32>,
    %swap3A_160 = arith.constant 352 : index
    %swap3A_161 = tpu.vector_load %arg15[%swap3A_160] {strides = array<i32>} : memref<1152xi32, #tpu.memory_space<vmem>>, vector<16xi32>,
    tpu.vector_store %arg15[%swap3A_160], %gather3A_159 {strides = array<i32>} : memref<1152xi32, #tpu.memory_space<vmem>>, vector<16xi32>,
    %get3A_162 = arith.constant 368 : index
    %get3A_163 = tpu.vector_load %arg7[%get3A_162] {strides = array<i32>} : memref<1152xi32, #tpu.memory_space<vmem>>, vector<16xi32>,
    %gather3A_164 = tpu.vector_load_idx %arg8[%get3A_163] : memref<32xi32, #tpu.memory_space<vmem>>[vector<16xi32>], vector<16xi32>,
    %swap3A_165 = arith.constant 368 : index
    %swap3A_166 = tpu.vector_load %arg15[%swap3A_165] {strides = array<i32>} : memref<1152xi32, #tpu.memory_space<vmem>>, vector<16xi32>,
    tpu.vector_store %arg15[%swap3A_165], %gather3A_164 {strides = array<i32>} : memref<1152xi32, #tpu.memory_space<vmem>>, vector<16xi32>,
    %get3A_167 = arith.constant 384 : index
    %get3A_168 = tpu.vector_load %arg7[%get3A_167] {strides = array<i32>} : memref<1152xi32, #tpu.memory_space<vmem>>, vector<16xi32>,
    %gather3A_169 = tpu.vector_load_idx %arg8[%get3A_168] : memref<32xi32, #tpu.memory_space<vmem>>[vector<16xi32>], vector<16xi32>,
    %swap3A_170 = arith.constant 384 : index
    %swap3A_171 = tpu.vector_load %arg15[%swap3A_170] {strides = array<i32>} : memref<1152xi32, #tpu.memory_space<vmem>>, vector<16xi32>,
    tpu.vector_store %arg15[%swap3A_170], %gather3A_169 {strides = array<i32>} : memref<1152xi32, #tpu.memory_space<vmem>>, vector<16xi32>,
    %get3A_172 = arith.constant 400 : index
    %get3A_173 = tpu.vector_load %arg7[%get3A_172] {strides = array<i32>} : memref<1152xi32, #tpu.memory_space<vmem>>, vector<16xi32>,
    %gather3A_174 = tpu.vector_load_idx %arg8[%get3A_173] : memref<32xi32, #tpu.memory_space<vmem>>[vector<16xi32>], vector<16xi32>,
    %swap3A_175 = arith.constant 400 : index
    %swap3A_176 = tpu.vector_load %arg15[%swap3A_175] {strides = array<i32>} : memref<1152xi32, #tpu.memory_space<vmem>>, vector<16xi32>,
    tpu.vector_store %arg15[%swap3A_175], %gather3A_174 {strides = array<i32>} : memref<1152xi32, #tpu.memory_space<vmem>>, vector<16xi32>,
    %get3A_177 = arith.constant 416 : index
    %get3A_178 = tpu.vector_load %arg7[%get3A_177] {strides = array<i32>} : memref<1152xi32, #tpu.memory_space<vmem>>, vector<16xi32>,
    %gather3A_179 = tpu.vector_load_idx %arg8[%get3A_178] : memref<32xi32, #tpu.memory_space<vmem>>[vector<16xi32>], vector<16xi32>,
    %swap3A_180 = arith.constant 416 : index
    %swap3A_181 = tpu.vector_load %arg15[%swap3A_180] {strides = array<i32>} : memref<1152xi32, #tpu.memory_space<vmem>>, vector<16xi32>,
    tpu.vector_store %arg15[%swap3A_180], %gather3A_179 {strides = array<i32>} : memref<1152xi32, #tpu.memory_space<vmem>>, vector<16xi32>,
    %get3A_182 = arith.constant 432 : index
    %get3A_183 = tpu.vector_load %arg7[%get3A_182] {strides = array<i32>} : memref<1152xi32, #tpu.memory_space<vmem>>, vector<16xi32>,
    %gather3A_184 = tpu.vector_load_idx %arg8[%get3A_183] : memref<32xi32, #tpu.memory_space<vmem>>[vector<16xi32>], vector<16xi32>,
    %swap3A_185 = arith.constant 432 : index
    %swap3A_186 = tpu.vector_load %arg15[%swap3A_185] {strides = array<i32>} : memref<1152xi32, #tpu.memory_space<vmem>>, vector<16xi32>,
    tpu.vector_store %arg15[%swap3A_185], %gather3A_184 {strides = array<i32>} : memref<1152xi32, #tpu.memory_space<vmem>>, vector<16xi32>,
    %get3A_187 = arith.constant 448 : index
    %get3A_188 = tpu.vector_load %arg7[%get3A_187] {strides = array<i32>} : memref<1152xi32, #tpu.memory_space<vmem>>, vector<16xi32>,
    %gather3A_189 = tpu.vector_load_idx %arg8[%get3A_188] : memref<32xi32, #tpu.memory_space<vmem>>[vector<16xi32>], vector<16xi32>,
    %swap3A_190 = arith.constant 448 : index
    %swap3A_191 = tpu.vector_load %arg15[%swap3A_190] {strides = array<i32>} : memref<1152xi32, #tpu.memory_space<vmem>>, vector<16xi32>,
    tpu.vector_store %arg15[%swap3A_190], %gather3A_189 {strides = array<i32>} : memref<1152xi32, #tpu.memory_space<vmem>>, vector<16xi32>,
    %get3A_192 = arith.constant 464 : index
    %get3A_193 = tpu.vector_load %arg7[%get3A_192] {strides = array<i32>} : memref<1152xi32, #tpu.memory_space<vmem>>, vector<16xi32>,
    %gather3A_194 = tpu.vector_load_idx %arg8[%get3A_193] : memref<32xi32, #tpu.memory_space<vmem>>[vector<16xi32>], vector<16xi32>,
    %swap3A_195 = arith.constant 464 : index
    %swap3A_196 = tpu.vector_load %arg15[%swap3A_195] {strides = array<i32>} : memref<1152xi32, #tpu.memory_space<vmem>>, vector<16xi32>,
    tpu.vector_store %arg15[%swap3A_195], %gather3A_194 {strides = array<i32>} : memref<1152xi32, #tpu.memory_space<vmem>>, vector<16xi32>,
    %get3A_197 = arith.constant 480 : index
    %get3A_198 = tpu.vector_load %arg7[%get3A_197] {strides = array<i32>} : memref<1152xi32, #tpu.memory_space<vmem>>, vector<16xi32>,
    %gather3A_199 = tpu.vector_load_idx %arg8[%get3A_198] : memref<32xi32, #tpu.memory_space<vmem>>[vector<16xi32>], vector<16xi32>,
    %swap3A_200 = arith.constant 480 : index
    %swap3A_201 = tpu.vector_load %arg15[%swap3A_200] {strides = array<i32>} : memref<1152xi32, #tpu.memory_space<vmem>>, vector<16xi32>,
    tpu.vector_store %arg15[%swap3A_200], %gather3A_199 {strides = array<i32>} : memref<1152xi32, #tpu.memory_space<vmem>>, vector<16xi32>,
    %get3A_202 = arith.constant 496 : index
    %get3A_203 = tpu.vector_load %arg7[%get3A_202] {strides = array<i32>} : memref<1152xi32, #tpu.memory_space<vmem>>, vector<16xi32>,
    %gather3A_204 = tpu.vector_load_idx %arg8[%get3A_203] : memref<32xi32, #tpu.memory_space<vmem>>[vector<16xi32>], vector<16xi32>,
    %swap3A_205 = arith.constant 496 : index
    %swap3A_206 = tpu.vector_load %arg15[%swap3A_205] {strides = array<i32>} : memref<1152xi32, #tpu.memory_space<vmem>>, vector<16xi32>,
    tpu.vector_store %arg15[%swap3A_205], %gather3A_204 {strides = array<i32>} : memref<1152xi32, #tpu.memory_space<vmem>>, vector<16xi32>,
    %get3A_207 = arith.constant 512 : index
    %get3A_208 = tpu.vector_load %arg7[%get3A_207] {strides = array<i32>} : memref<1152xi32, #tpu.memory_space<vmem>>, vector<16xi32>,
    %gather3A_209 = tpu.vector_load_idx %arg8[%get3A_208] : memref<32xi32, #tpu.memory_space<vmem>>[vector<16xi32>], vector<16xi32>,
    %swap3A_210 = arith.constant 512 : index
    %swap3A_211 = tpu.vector_load %arg15[%swap3A_210] {strides = array<i32>} : memref<1152xi32, #tpu.memory_space<vmem>>, vector<16xi32>,
    tpu.vector_store %arg15[%swap3A_210], %gather3A_209 {strides = array<i32>} : memref<1152xi32, #tpu.memory_space<vmem>>, vector<16xi32>,
    %get3A_212 = arith.constant 528 : index
    %get3A_213 = tpu.vector_load %arg7[%get3A_212] {strides = array<i32>} : memref<1152xi32, #tpu.memory_space<vmem>>, vector<16xi32>,
    %gather3A_214 = tpu.vector_load_idx %arg8[%get3A_213] : memref<32xi32, #tpu.memory_space<vmem>>[vector<16xi32>], vector<16xi32>,
    %swap3A_215 = arith.constant 528 : index
    %swap3A_216 = tpu.vector_load %arg15[%swap3A_215] {strides = array<i32>} : memref<1152xi32, #tpu.memory_space<vmem>>, vector<16xi32>,
    tpu.vector_store %arg15[%swap3A_215], %gather3A_214 {strides = array<i32>} : memref<1152xi32, #tpu.memory_space<vmem>>, vector<16xi32>,
    %get3A_217 = arith.constant 544 : index
    %get3A_218 = tpu.vector_load %arg7[%get3A_217] {strides = array<i32>} : memref<1152xi32, #tpu.memory_space<vmem>>, vector<16xi32>,
    %gather3A_219 = tpu.vector_load_idx %arg8[%get3A_218] : memref<32xi32, #tpu.memory_space<vmem>>[vector<16xi32>], vector<16xi32>,
    %swap3A_220 = arith.constant 544 : index
    %swap3A_221 = tpu.vector_load %arg15[%swap3A_220] {strides = array<i32>} : memref<1152xi32, #tpu.memory_space<vmem>>, vector<16xi32>,
    tpu.vector_store %arg15[%swap3A_220], %gather3A_219 {strides = array<i32>} : memref<1152xi32, #tpu.memory_space<vmem>>, vector<16xi32>,
    %get3A_222 = arith.constant 560 : index
    %get3A_223 = tpu.vector_load %arg7[%get3A_222] {strides = array<i32>} : memref<1152xi32, #tpu.memory_space<vmem>>, vector<16xi32>,
    %gather3A_224 = tpu.vector_load_idx %arg8[%get3A_223] : memref<32xi32, #tpu.memory_space<vmem>>[vector<16xi32>], vector<16xi32>,
    %swap3A_225 = arith.constant 560 : index
    %swap3A_226 = tpu.vector_load %arg15[%swap3A_225] {strides = array<i32>} : memref<1152xi32, #tpu.memory_space<vmem>>, vector<16xi32>,
    tpu.vector_store %arg15[%swap3A_225], %gather3A_224 {strides = array<i32>} : memref<1152xi32, #tpu.memory_space<vmem>>, vector<16xi32>,
    %get3A_227 = arith.constant 576 : index
    %get3A_228 = tpu.vector_load %arg7[%get3A_227] {strides = array<i32>} : memref<1152xi32, #tpu.memory_space<vmem>>, vector<16xi32>,
    %gather3A_229 = tpu.vector_load_idx %arg8[%get3A_228] : memref<32xi32, #tpu.memory_space<vmem>>[vector<16xi32>], vector<16xi32>,
    %swap3A_230 = arith.constant 576 : index
    %swap3A_231 = tpu.vector_load %arg15[%swap3A_230] {strides = array<i32>} : memref<1152xi32, #tpu.memory_space<vmem>>, vector<16xi32>,
    tpu.vector_store %arg15[%swap3A_230], %gather3A_229 {strides = array<i32>} : memref<1152xi32, #tpu.memory_space<vmem>>, vector<16xi32>,
    %get3A_232 = arith.constant 592 : index
    %get3A_233 = tpu.vector_load %arg7[%get3A_232] {strides = array<i32>} : memref<1152xi32, #tpu.memory_space<vmem>>, vector<16xi32>,
    %gather3A_234 = tpu.vector_load_idx %arg8[%get3A_233] : memref<32xi32, #tpu.memory_space<vmem>>[vector<16xi32>], vector<16xi32>,
    %swap3A_235 = arith.constant 592 : index
    %swap3A_236 = tpu.vector_load %arg15[%swap3A_235] {strides = array<i32>} : memref<1152xi32, #tpu.memory_space<vmem>>, vector<16xi32>,
    tpu.vector_store %arg15[%swap3A_235], %gather3A_234 {strides = array<i32>} : memref<1152xi32, #tpu.memory_space<vmem>>, vector<16xi32>,
    %get3A_237 = arith.constant 608 : index
    %get3A_238 = tpu.vector_load %arg7[%get3A_237] {strides = array<i32>} : memref<1152xi32, #tpu.memory_space<vmem>>, vector<16xi32>,
    %gather3A_239 = tpu.vector_load_idx %arg8[%get3A_238] : memref<32xi32, #tpu.memory_space<vmem>>[vector<16xi32>], vector<16xi32>,
    %swap3A_240 = arith.constant 608 : index
    %swap3A_241 = tpu.vector_load %arg15[%swap3A_240] {strides = array<i32>} : memref<1152xi32, #tpu.memory_space<vmem>>, vector<16xi32>,
    tpu.vector_store %arg15[%swap3A_240], %gather3A_239 {strides = array<i32>} : memref<1152xi32, #tpu.memory_space<vmem>>, vector<16xi32>,
    %get3A_242 = arith.constant 624 : index
    %get3A_243 = tpu.vector_load %arg7[%get3A_242] {strides = array<i32>} : memref<1152xi32, #tpu.memory_space<vmem>>, vector<16xi32>,
    %gather3A_244 = tpu.vector_load_idx %arg8[%get3A_243] : memref<32xi32, #tpu.memory_space<vmem>>[vector<16xi32>], vector<16xi32>,
    %swap3A_245 = arith.constant 624 : index
    %swap3A_246 = tpu.vector_load %arg15[%swap3A_245] {strides = array<i32>} : memref<1152xi32, #tpu.memory_space<vmem>>, vector<16xi32>,
    tpu.vector_store %arg15[%swap3A_245], %gather3A_244 {strides = array<i32>} : memref<1152xi32, #tpu.memory_space<vmem>>, vector<16xi32>,
    %get3A_247 = arith.constant 640 : index
    %get3A_248 = tpu.vector_load %arg7[%get3A_247] {strides = array<i32>} : memref<1152xi32, #tpu.memory_space<vmem>>, vector<16xi32>,
    %gather3A_249 = tpu.vector_load_idx %arg8[%get3A_248] : memref<32xi32, #tpu.memory_space<vmem>>[vector<16xi32>], vector<16xi32>,
    %swap3A_250 = arith.constant 640 : index
    %swap3A_251 = tpu.vector_load %arg15[%swap3A_250] {strides = array<i32>} : memref<1152xi32, #tpu.memory_space<vmem>>, vector<16xi32>,
    tpu.vector_store %arg15[%swap3A_250], %gather3A_249 {strides = array<i32>} : memref<1152xi32, #tpu.memory_space<vmem>>, vector<16xi32>,
    %get3A_252 = arith.constant 656 : index
    %get3A_253 = tpu.vector_load %arg7[%get3A_252] {strides = array<i32>} : memref<1152xi32, #tpu.memory_space<vmem>>, vector<16xi32>,
    %gather3A_254 = tpu.vector_load_idx %arg8[%get3A_253] : memref<32xi32, #tpu.memory_space<vmem>>[vector<16xi32>], vector<16xi32>,
    %swap3A_255 = arith.constant 656 : index
    %swap3A_256 = tpu.vector_load %arg15[%swap3A_255] {strides = array<i32>} : memref<1152xi32, #tpu.memory_space<vmem>>, vector<16xi32>,
    tpu.vector_store %arg15[%swap3A_255], %gather3A_254 {strides = array<i32>} : memref<1152xi32, #tpu.memory_space<vmem>>, vector<16xi32>,
    %get3A_257 = arith.constant 672 : index
    %get3A_258 = tpu.vector_load %arg7[%get3A_257] {strides = array<i32>} : memref<1152xi32, #tpu.memory_space<vmem>>, vector<16xi32>,
    %gather3A_259 = tpu.vector_load_idx %arg8[%get3A_258] : memref<32xi32, #tpu.memory_space<vmem>>[vector<16xi32>], vector<16xi32>,
    %swap3A_260 = arith.constant 672 : index
    %swap3A_261 = tpu.vector_load %arg15[%swap3A_260] {strides = array<i32>} : memref<1152xi32, #tpu.memory_space<vmem>>, vector<16xi32>,
    tpu.vector_store %arg15[%swap3A_260], %gather3A_259 {strides = array<i32>} : memref<1152xi32, #tpu.memory_space<vmem>>, vector<16xi32>,
    %get3A_262 = arith.constant 688 : index
    %get3A_263 = tpu.vector_load %arg7[%get3A_262] {strides = array<i32>} : memref<1152xi32, #tpu.memory_space<vmem>>, vector<16xi32>,
    %gather3A_264 = tpu.vector_load_idx %arg8[%get3A_263] : memref<32xi32, #tpu.memory_space<vmem>>[vector<16xi32>], vector<16xi32>,
    %swap3A_265 = arith.constant 688 : index
    %swap3A_266 = tpu.vector_load %arg15[%swap3A_265] {strides = array<i32>} : memref<1152xi32, #tpu.memory_space<vmem>>, vector<16xi32>,
    tpu.vector_store %arg15[%swap3A_265], %gather3A_264 {strides = array<i32>} : memref<1152xi32, #tpu.memory_space<vmem>>, vector<16xi32>,
    %get3A_267 = arith.constant 704 : index
    %get3A_268 = tpu.vector_load %arg7[%get3A_267] {strides = array<i32>} : memref<1152xi32, #tpu.memory_space<vmem>>, vector<16xi32>,
    %gather3A_269 = tpu.vector_load_idx %arg8[%get3A_268] : memref<32xi32, #tpu.memory_space<vmem>>[vector<16xi32>], vector<16xi32>,
    %swap3A_270 = arith.constant 704 : index
    %swap3A_271 = tpu.vector_load %arg15[%swap3A_270] {strides = array<i32>} : memref<1152xi32, #tpu.memory_space<vmem>>, vector<16xi32>,
    tpu.vector_store %arg15[%swap3A_270], %gather3A_269 {strides = array<i32>} : memref<1152xi32, #tpu.memory_space<vmem>>, vector<16xi32>,
    %get3A_272 = arith.constant 720 : index
    %get3A_273 = tpu.vector_load %arg7[%get3A_272] {strides = array<i32>} : memref<1152xi32, #tpu.memory_space<vmem>>, vector<16xi32>,
    %gather3A_274 = tpu.vector_load_idx %arg8[%get3A_273] : memref<32xi32, #tpu.memory_space<vmem>>[vector<16xi32>], vector<16xi32>,
    %swap3A_275 = arith.constant 720 : index
    %swap3A_276 = tpu.vector_load %arg15[%swap3A_275] {strides = array<i32>} : memref<1152xi32, #tpu.memory_space<vmem>>, vector<16xi32>,
    tpu.vector_store %arg15[%swap3A_275], %gather3A_274 {strides = array<i32>} : memref<1152xi32, #tpu.memory_space<vmem>>, vector<16xi32>,
    %get3A_277 = arith.constant 736 : index
    %get3A_278 = tpu.vector_load %arg7[%get3A_277] {strides = array<i32>} : memref<1152xi32, #tpu.memory_space<vmem>>, vector<16xi32>,
    %gather3A_279 = tpu.vector_load_idx %arg8[%get3A_278] : memref<32xi32, #tpu.memory_space<vmem>>[vector<16xi32>], vector<16xi32>,
    %swap3A_280 = arith.constant 736 : index
    %swap3A_281 = tpu.vector_load %arg15[%swap3A_280] {strides = array<i32>} : memref<1152xi32, #tpu.memory_space<vmem>>, vector<16xi32>,
    tpu.vector_store %arg15[%swap3A_280], %gather3A_279 {strides = array<i32>} : memref<1152xi32, #tpu.memory_space<vmem>>, vector<16xi32>,
    %get3A_282 = arith.constant 752 : index
    %get3A_283 = tpu.vector_load %arg7[%get3A_282] {strides = array<i32>} : memref<1152xi32, #tpu.memory_space<vmem>>, vector<16xi32>,
    %gather3A_284 = tpu.vector_load_idx %arg8[%get3A_283] : memref<32xi32, #tpu.memory_space<vmem>>[vector<16xi32>], vector<16xi32>,
    %swap3A_285 = arith.constant 752 : index
    %swap3A_286 = tpu.vector_load %arg15[%swap3A_285] {strides = array<i32>} : memref<1152xi32, #tpu.memory_space<vmem>>, vector<16xi32>,
    tpu.vector_store %arg15[%swap3A_285], %gather3A_284 {strides = array<i32>} : memref<1152xi32, #tpu.memory_space<vmem>>, vector<16xi32>,
    %get3A_287 = arith.constant 768 : index
    %get3A_288 = tpu.vector_load %arg7[%get3A_287] {strides = array<i32>} : memref<1152xi32, #tpu.memory_space<vmem>>, vector<16xi32>,
    %gather3A_289 = tpu.vector_load_idx %arg8[%get3A_288] : memref<32xi32, #tpu.memory_space<vmem>>[vector<16xi32>], vector<16xi32>,
    %swap3A_290 = arith.constant 768 : index
    %swap3A_291 = tpu.vector_load %arg15[%swap3A_290] {strides = array<i32>} : memref<1152xi32, #tpu.memory_space<vmem>>, vector<16xi32>,
    tpu.vector_store %arg15[%swap3A_290], %gather3A_289 {strides = array<i32>} : memref<1152xi32, #tpu.memory_space<vmem>>, vector<16xi32>,
    %get3A_292 = arith.constant 784 : index
    %get3A_293 = tpu.vector_load %arg7[%get3A_292] {strides = array<i32>} : memref<1152xi32, #tpu.memory_space<vmem>>, vector<16xi32>,
    %gather3A_294 = tpu.vector_load_idx %arg8[%get3A_293] : memref<32xi32, #tpu.memory_space<vmem>>[vector<16xi32>], vector<16xi32>,
    %swap3A_295 = arith.constant 784 : index
    %swap3A_296 = tpu.vector_load %arg15[%swap3A_295] {strides = array<i32>} : memref<1152xi32, #tpu.memory_space<vmem>>, vector<16xi32>,
    tpu.vector_store %arg15[%swap3A_295], %gather3A_294 {strides = array<i32>} : memref<1152xi32, #tpu.memory_space<vmem>>, vector<16xi32>,
    %get3A_297 = arith.constant 800 : index
    %get3A_298 = tpu.vector_load %arg7[%get3A_297] {strides = array<i32>} : memref<1152xi32, #tpu.memory_space<vmem>>, vector<16xi32>,
    %gather3A_299 = tpu.vector_load_idx %arg8[%get3A_298] : memref<32xi32, #tpu.memory_space<vmem>>[vector<16xi32>], vector<16xi32>,
    %swap3A_300 = arith.constant 800 : index
    %swap3A_301 = tpu.vector_load %arg15[%swap3A_300] {strides = array<i32>} : memref<1152xi32, #tpu.memory_space<vmem>>, vector<16xi32>,
    tpu.vector_store %arg15[%swap3A_300], %gather3A_299 {strides = array<i32>} : memref<1152xi32, #tpu.memory_space<vmem>>, vector<16xi32>,
    %get3A_302 = arith.constant 816 : index
    %get3A_303 = tpu.vector_load %arg7[%get3A_302] {strides = array<i32>} : memref<1152xi32, #tpu.memory_space<vmem>>, vector<16xi32>,
    %gather3A_304 = tpu.vector_load_idx %arg8[%get3A_303] : memref<32xi32, #tpu.memory_space<vmem>>[vector<16xi32>], vector<16xi32>,
    %swap3A_305 = arith.constant 816 : index
    %swap3A_306 = tpu.vector_load %arg15[%swap3A_305] {strides = array<i32>} : memref<1152xi32, #tpu.memory_space<vmem>>, vector<16xi32>,
    tpu.vector_store %arg15[%swap3A_305], %gather3A_304 {strides = array<i32>} : memref<1152xi32, #tpu.memory_space<vmem>>, vector<16xi32>,
    %get3A_307 = arith.constant 832 : index
    %get3A_308 = tpu.vector_load %arg7[%get3A_307] {strides = array<i32>} : memref<1152xi32, #tpu.memory_space<vmem>>, vector<16xi32>,
    %gather3A_309 = tpu.vector_load_idx %arg8[%get3A_308] : memref<32xi32, #tpu.memory_space<vmem>>[vector<16xi32>], vector<16xi32>,
    %swap3A_310 = arith.constant 832 : index
    %swap3A_311 = tpu.vector_load %arg15[%swap3A_310] {strides = array<i32>} : memref<1152xi32, #tpu.memory_space<vmem>>, vector<16xi32>,
    tpu.vector_store %arg15[%swap3A_310], %gather3A_309 {strides = array<i32>} : memref<1152xi32, #tpu.memory_space<vmem>>, vector<16xi32>,
    %get3A_312 = arith.constant 848 : index
    %get3A_313 = tpu.vector_load %arg7[%get3A_312] {strides = array<i32>} : memref<1152xi32, #tpu.memory_space<vmem>>, vector<16xi32>,
    %gather3A_314 = tpu.vector_load_idx %arg8[%get3A_313] : memref<32xi32, #tpu.memory_space<vmem>>[vector<16xi32>], vector<16xi32>,
    %swap3A_315 = arith.constant 848 : index
    %swap3A_316 = tpu.vector_load %arg15[%swap3A_315] {strides = array<i32>} : memref<1152xi32, #tpu.memory_space<vmem>>, vector<16xi32>,
    tpu.vector_store %arg15[%swap3A_315], %gather3A_314 {strides = array<i32>} : memref<1152xi32, #tpu.memory_space<vmem>>, vector<16xi32>,
    %get3A_317 = arith.constant 864 : index
    %get3A_318 = tpu.vector_load %arg7[%get3A_317] {strides = array<i32>} : memref<1152xi32, #tpu.memory_space<vmem>>, vector<16xi32>,
    %gather3A_319 = tpu.vector_load_idx %arg8[%get3A_318] : memref<32xi32, #tpu.memory_space<vmem>>[vector<16xi32>], vector<16xi32>,
    %swap3A_320 = arith.constant 864 : index
    %swap3A_321 = tpu.vector_load %arg15[%swap3A_320] {strides = array<i32>} : memref<1152xi32, #tpu.memory_space<vmem>>, vector<16xi32>,
    tpu.vector_store %arg15[%swap3A_320], %gather3A_319 {strides = array<i32>} : memref<1152xi32, #tpu.memory_space<vmem>>, vector<16xi32>,
    %get3A_322 = arith.constant 880 : index
    %get3A_323 = tpu.vector_load %arg7[%get3A_322] {strides = array<i32>} : memref<1152xi32, #tpu.memory_space<vmem>>, vector<16xi32>,
    %gather3A_324 = tpu.vector_load_idx %arg8[%get3A_323] : memref<32xi32, #tpu.memory_space<vmem>>[vector<16xi32>], vector<16xi32>,
    %swap3A_325 = arith.constant 880 : index
    %swap3A_326 = tpu.vector_load %arg15[%swap3A_325] {strides = array<i32>} : memref<1152xi32, #tpu.memory_space<vmem>>, vector<16xi32>,
    tpu.vector_store %arg15[%swap3A_325], %gather3A_324 {strides = array<i32>} : memref<1152xi32, #tpu.memory_space<vmem>>, vector<16xi32>,
    %get3A_327 = arith.constant 896 : index
    %get3A_328 = tpu.vector_load %arg7[%get3A_327] {strides = array<i32>} : memref<1152xi32, #tpu.memory_space<vmem>>, vector<16xi32>,
    %gather3A_329 = tpu.vector_load_idx %arg8[%get3A_328] : memref<32xi32, #tpu.memory_space<vmem>>[vector<16xi32>], vector<16xi32>,
    %swap3A_330 = arith.constant 896 : index
    %swap3A_331 = tpu.vector_load %arg15[%swap3A_330] {strides = array<i32>} : memref<1152xi32, #tpu.memory_space<vmem>>, vector<16xi32>,
    tpu.vector_store %arg15[%swap3A_330], %gather3A_329 {strides = array<i32>} : memref<1152xi32, #tpu.memory_space<vmem>>, vector<16xi32>,
    %get3A_332 = arith.constant 912 : index
    %get3A_333 = tpu.vector_load %arg7[%get3A_332] {strides = array<i32>} : memref<1152xi32, #tpu.memory_space<vmem>>, vector<16xi32>,
    %gather3A_334 = tpu.vector_load_idx %arg8[%get3A_333] : memref<32xi32, #tpu.memory_space<vmem>>[vector<16xi32>], vector<16xi32>,
    %swap3A_335 = arith.constant 912 : index
    %swap3A_336 = tpu.vector_load %arg15[%swap3A_335] {strides = array<i32>} : memref<1152xi32, #tpu.memory_space<vmem>>, vector<16xi32>,
    tpu.vector_store %arg15[%swap3A_335], %gather3A_334 {strides = array<i32>} : memref<1152xi32, #tpu.memory_space<vmem>>, vector<16xi32>,
    %get3A_337 = arith.constant 928 : index
    %get3A_338 = tpu.vector_load %arg7[%get3A_337] {strides = array<i32>} : memref<1152xi32, #tpu.memory_space<vmem>>, vector<16xi32>,
    %gather3A_339 = tpu.vector_load_idx %arg8[%get3A_338] : memref<32xi32, #tpu.memory_space<vmem>>[vector<16xi32>], vector<16xi32>,
    %swap3A_340 = arith.constant 928 : index
    %swap3A_341 = tpu.vector_load %arg15[%swap3A_340] {strides = array<i32>} : memref<1152xi32, #tpu.memory_space<vmem>>, vector<16xi32>,
    tpu.vector_store %arg15[%swap3A_340], %gather3A_339 {strides = array<i32>} : memref<1152xi32, #tpu.memory_space<vmem>>, vector<16xi32>,
    %get3A_342 = arith.constant 944 : index
    %get3A_343 = tpu.vector_load %arg7[%get3A_342] {strides = array<i32>} : memref<1152xi32, #tpu.memory_space<vmem>>, vector<16xi32>,
    %gather3A_344 = tpu.vector_load_idx %arg8[%get3A_343] : memref<32xi32, #tpu.memory_space<vmem>>[vector<16xi32>], vector<16xi32>,
    %swap3A_345 = arith.constant 944 : index
    %swap3A_346 = tpu.vector_load %arg15[%swap3A_345] {strides = array<i32>} : memref<1152xi32, #tpu.memory_space<vmem>>, vector<16xi32>,
    tpu.vector_store %arg15[%swap3A_345], %gather3A_344 {strides = array<i32>} : memref<1152xi32, #tpu.memory_space<vmem>>, vector<16xi32>,
    %get3A_347 = arith.constant 960 : index
    %get3A_348 = tpu.vector_load %arg7[%get3A_347] {strides = array<i32>} : memref<1152xi32, #tpu.memory_space<vmem>>, vector<16xi32>,
    %gather3A_349 = tpu.vector_load_idx %arg8[%get3A_348] : memref<32xi32, #tpu.memory_space<vmem>>[vector<16xi32>], vector<16xi32>,
    %swap3A_350 = arith.constant 960 : index
    %swap3A_351 = tpu.vector_load %arg15[%swap3A_350] {strides = array<i32>} : memref<1152xi32, #tpu.memory_space<vmem>>, vector<16xi32>,
    tpu.vector_store %arg15[%swap3A_350], %gather3A_349 {strides = array<i32>} : memref<1152xi32, #tpu.memory_space<vmem>>, vector<16xi32>,
    %get3A_352 = arith.constant 976 : index
    %get3A_353 = tpu.vector_load %arg7[%get3A_352] {strides = array<i32>} : memref<1152xi32, #tpu.memory_space<vmem>>, vector<16xi32>,
    %gather3A_354 = tpu.vector_load_idx %arg8[%get3A_353] : memref<32xi32, #tpu.memory_space<vmem>>[vector<16xi32>], vector<16xi32>,
    %swap3A_355 = arith.constant 976 : index
    %swap3A_356 = tpu.vector_load %arg15[%swap3A_355] {strides = array<i32>} : memref<1152xi32, #tpu.memory_space<vmem>>, vector<16xi32>,
    tpu.vector_store %arg15[%swap3A_355], %gather3A_354 {strides = array<i32>} : memref<1152xi32, #tpu.memory_space<vmem>>, vector<16xi32>,
    %get3A_357 = arith.constant 992 : index
    %get3A_358 = tpu.vector_load %arg7[%get3A_357] {strides = array<i32>} : memref<1152xi32, #tpu.memory_space<vmem>>, vector<16xi32>,
    %gather3A_359 = tpu.vector_load_idx %arg8[%get3A_358] : memref<32xi32, #tpu.memory_space<vmem>>[vector<16xi32>], vector<16xi32>,
    %swap3A_360 = arith.constant 992 : index
    %swap3A_361 = tpu.vector_load %arg15[%swap3A_360] {strides = array<i32>} : memref<1152xi32, #tpu.memory_space<vmem>>, vector<16xi32>,
    tpu.vector_store %arg15[%swap3A_360], %gather3A_359 {strides = array<i32>} : memref<1152xi32, #tpu.memory_space<vmem>>, vector<16xi32>,
    %get3A_362 = arith.constant 1008 : index
    %get3A_363 = tpu.vector_load %arg7[%get3A_362] {strides = array<i32>} : memref<1152xi32, #tpu.memory_space<vmem>>, vector<16xi32>,
    %gather3A_364 = tpu.vector_load_idx %arg8[%get3A_363] : memref<32xi32, #tpu.memory_space<vmem>>[vector<16xi32>], vector<16xi32>,
    %swap3A_365 = arith.constant 1008 : index
    %swap3A_366 = tpu.vector_load %arg15[%swap3A_365] {strides = array<i32>} : memref<1152xi32, #tpu.memory_space<vmem>>, vector<16xi32>,
    tpu.vector_store %arg15[%swap3A_365], %gather3A_364 {strides = array<i32>} : memref<1152xi32, #tpu.memory_space<vmem>>, vector<16xi32>,
    %get3A_367 = arith.constant 1024 : index
    %get3A_368 = tpu.vector_load %arg7[%get3A_367] {strides = array<i32>} : memref<1152xi32, #tpu.memory_space<vmem>>, vector<16xi32>,
    %gather3A_369 = tpu.vector_load_idx %arg8[%get3A_368] : memref<32xi32, #tpu.memory_space<vmem>>[vector<16xi32>], vector<16xi32>,
    %swap3A_370 = arith.constant 1024 : index
    %swap3A_371 = tpu.vector_load %arg15[%swap3A_370] {strides = array<i32>} : memref<1152xi32, #tpu.memory_space<vmem>>, vector<16xi32>,
    tpu.vector_store %arg15[%swap3A_370], %gather3A_369 {strides = array<i32>} : memref<1152xi32, #tpu.memory_space<vmem>>, vector<16xi32>,
    %get3A_372 = arith.constant 1040 : index
    %get3A_373 = tpu.vector_load %arg7[%get3A_372] {strides = array<i32>} : memref<1152xi32, #tpu.memory_space<vmem>>, vector<16xi32>,
    %gather3A_374 = tpu.vector_load_idx %arg8[%get3A_373] : memref<32xi32, #tpu.memory_space<vmem>>[vector<16xi32>], vector<16xi32>,
    %swap3A_375 = arith.constant 1040 : index
    %swap3A_376 = tpu.vector_load %arg15[%swap3A_375] {strides = array<i32>} : memref<1152xi32, #tpu.memory_space<vmem>>, vector<16xi32>,
    tpu.vector_store %arg15[%swap3A_375], %gather3A_374 {strides = array<i32>} : memref<1152xi32, #tpu.memory_space<vmem>>, vector<16xi32>,
    %get3A_377 = arith.constant 1056 : index
    %get3A_378 = tpu.vector_load %arg7[%get3A_377] {strides = array<i32>} : memref<1152xi32, #tpu.memory_space<vmem>>, vector<16xi32>,
    %gather3A_379 = tpu.vector_load_idx %arg8[%get3A_378] : memref<32xi32, #tpu.memory_space<vmem>>[vector<16xi32>], vector<16xi32>,
    %swap3A_380 = arith.constant 1056 : index
    %swap3A_381 = tpu.vector_load %arg15[%swap3A_380] {strides = array<i32>} : memref<1152xi32, #tpu.memory_space<vmem>>, vector<16xi32>,
    tpu.vector_store %arg15[%swap3A_380], %gather3A_379 {strides = array<i32>} : memref<1152xi32, #tpu.memory_space<vmem>>, vector<16xi32>,
    %get3A_382 = arith.constant 1072 : index
    %get3A_383 = tpu.vector_load %arg7[%get3A_382] {strides = array<i32>} : memref<1152xi32, #tpu.memory_space<vmem>>, vector<16xi32>,
    %gather3A_384 = tpu.vector_load_idx %arg8[%get3A_383] : memref<32xi32, #tpu.memory_space<vmem>>[vector<16xi32>], vector<16xi32>,
    %swap3A_385 = arith.constant 1072 : index
    %swap3A_386 = tpu.vector_load %arg15[%swap3A_385] {strides = array<i32>} : memref<1152xi32, #tpu.memory_space<vmem>>, vector<16xi32>,
    tpu.vector_store %arg15[%swap3A_385], %gather3A_384 {strides = array<i32>} : memref<1152xi32, #tpu.memory_space<vmem>>, vector<16xi32>,
    %get3A_387 = arith.constant 1088 : index
    %get3A_388 = tpu.vector_load %arg7[%get3A_387] {strides = array<i32>} : memref<1152xi32, #tpu.memory_space<vmem>>, vector<16xi32>,
    %gather3A_389 = tpu.vector_load_idx %arg8[%get3A_388] : memref<32xi32, #tpu.memory_space<vmem>>[vector<16xi32>], vector<16xi32>,
    %swap3A_390 = arith.constant 1088 : index
    %swap3A_391 = tpu.vector_load %arg15[%swap3A_390] {strides = array<i32>} : memref<1152xi32, #tpu.memory_space<vmem>>, vector<16xi32>,
    tpu.vector_store %arg15[%swap3A_390], %gather3A_389 {strides = array<i32>} : memref<1152xi32, #tpu.memory_space<vmem>>, vector<16xi32>,
    %get3A_392 = arith.constant 1104 : index
    %get3A_393 = tpu.vector_load %arg7[%get3A_392] {strides = array<i32>} : memref<1152xi32, #tpu.memory_space<vmem>>, vector<16xi32>,
    %gather3A_394 = tpu.vector_load_idx %arg8[%get3A_393] : memref<32xi32, #tpu.memory_space<vmem>>[vector<16xi32>], vector<16xi32>,
    %swap3A_395 = arith.constant 1104 : index
    %swap3A_396 = tpu.vector_load %arg15[%swap3A_395] {strides = array<i32>} : memref<1152xi32, #tpu.memory_space<vmem>>, vector<16xi32>,
    tpu.vector_store %arg15[%swap3A_395], %gather3A_394 {strides = array<i32>} : memref<1152xi32, #tpu.memory_space<vmem>>, vector<16xi32>,
    %get3A_397 = arith.constant 1120 : index
    %get3A_398 = tpu.vector_load %arg7[%get3A_397] {strides = array<i32>} : memref<1152xi32, #tpu.memory_space<vmem>>, vector<16xi32>,
    %gather3A_399 = tpu.vector_load_idx %arg8[%get3A_398] : memref<32xi32, #tpu.memory_space<vmem>>[vector<16xi32>], vector<16xi32>,
    %swap3A_400 = arith.constant 1120 : index
    %swap3A_401 = tpu.vector_load %arg15[%swap3A_400] {strides = array<i32>} : memref<1152xi32, #tpu.memory_space<vmem>>, vector<16xi32>,
    tpu.vector_store %arg15[%swap3A_400], %gather3A_399 {strides = array<i32>} : memref<1152xi32, #tpu.memory_space<vmem>>, vector<16xi32>,
    %get3A_402 = arith.constant 1136 : index
    %get3A_403 = tpu.vector_load %arg7[%get3A_402] {strides = array<i32>} : memref<1152xi32, #tpu.memory_space<vmem>>, vector<16xi32>,
    %gather3A_404 = tpu.vector_load_idx %arg8[%get3A_403] : memref<32xi32, #tpu.memory_space<vmem>>[vector<16xi32>], vector<16xi32>,
    %swap3A_405 = arith.constant 1136 : index
    %swap3A_406 = tpu.vector_load %arg15[%swap3A_405] {strides = array<i32>} : memref<1152xi32, #tpu.memory_space<vmem>>, vector<16xi32>,
    tpu.vector_store %arg15[%swap3A_405], %gather3A_404 {strides = array<i32>} : memref<1152xi32, #tpu.memory_space<vmem>>, vector<16xi32>,
    %dma_start3A_407 = tpu.memref_slice %arg6[%mul3A_2] : memref<36864xi32, #tpu.memory_space<hbm>> -> memref<1152xi32, #tpu.memory_space<hbm>>
    %dma_start3A_408 = tpu.memref_slice %arg6[%mul3A_2] : memref<36864xi32, #tpu.memory_space<hbm>> -> memref<1152xi32, #tpu.memory_space<hbm>>
    tpu.enqueue_dma source(%arg15 : memref<1152xi32, #tpu.memory_space<vmem>>) target(%dma_start3A_408 : memref<1152xi32, #tpu.memory_space<hbm>>) target_semaphore(%arg17 : memref<!tpu.dma_semaphore, #tpu.memory_space<semaphore_mem>>)
    %dma_wait3A_409 = arith.constant 0 : i32
    %dma_wait3A_410 = tpu.memref_slice %arg7[%dma_wait3A_409] : memref<1152xi32, #tpu.memory_space<vmem>> -> memref<128xi32, #tpu.memory_space<vmem>>
    %dma_wait3A_411 = arith.constant 0 : i32
    %dma_wait3A_412 = tpu.memref_slice %arg3[%mul3A_6, %dma_wait3A_411] : memref<1024x128xf32, #tpu.memory_space<hbm>> -> memref<32x128xf32, #tpu.memory_space<hbm>>
    %dma_wait3A_413 = arith.constant 0 : i32
    %dma_wait3A_414 = arith.constant 0 : i32
    %dma_wait3A_415 = tpu.memref_slice %dma_wait3A_412[%dma_wait3A_413, %dma_wait3A_414] : memref<32x128xf32, #tpu.memory_space<hbm>> -> memref<32x128xf32, #tpu.memory_space<hbm>>
    tpu.wait_indirect_dma semaphore(%arg18 : memref<!tpu.dma_semaphore, #tpu.memory_space<semaphore_mem>>) src(%dma_wait3A_415 : memref<32x128xf32, #tpu.memory_space<hbm>>) dst(%arg9 : memref<128x128xf32, #tpu.memory_space<vmem>>)
    %add3A_416 = arith.constant 0 : i32
    %add3A_417 = arith.addi %mul3A_2, %add3A_416 : i32
    %dma_start3A_418 = arith.constant 0 : i32
    %dma_start3A_419 = tpu.memref_slice %arg5[%add3A_417, %dma_start3A_418] : memref<36864x128xf32, #tpu.memory_space<hbm>> -> memref<128x128xf32, #tpu.memory_space<hbm>>
    %dma_start3A_420 = arith.constant 0 : i32
    %dma_start3A_421 = tpu.memref_slice %arg5[%add3A_417, %dma_start3A_420] : memref<36864x128xf32, #tpu.memory_space<hbm>> -> memref<128x128xf32, #tpu.memory_space<hbm>>
    tpu.enqueue_dma source(%arg9 : memref<128x128xf32, #tpu.memory_space<vmem>>) target(%dma_start3A_421 : memref<128x128xf32, #tpu.memory_space<hbm>>) target_semaphore(%arg24 : memref<!tpu.dma_semaphore, #tpu.memory_space<semaphore_mem>>)
    %mul3A_422 = arith.constant 32 : i32
    %mul3A_423 = arith.muli %add3A, %mul3A_422 : i32
    %dma_start3A_424 = arith.constant 640 : i32
    %dma_start3A_425 = tpu.memref_slice %arg7[%dma_start3A_424] : memref<1152xi32, #tpu.memory_space<vmem>> -> memref<128xi32, #tpu.memory_space<vmem>>
    %dma_start3A_426 = arith.constant 0 : i32
    %dma_start3A_427 = tpu.memref_slice %arg3[%mul3A_423, %dma_start3A_426] : memref<1024x128xf32, #tpu.memory_space<hbm>> -> memref<32x128xf32, #tpu.memory_space<hbm>>
    %dma_start3A_428 = arith.constant 0 : i32
    %dma_start3A_429 = arith.constant 0 : i32
    %dma_start3A_430 = tpu.memref_slice %dma_start3A_427[%dma_start3A_428, %dma_start3A_429] : memref<32x128xf32, #tpu.memory_space<hbm>> -> memref<32x128xf32, #tpu.memory_space<hbm>>
    tpu.enqueue_indirect_dma source(%dma_start3A_430 : memref<32x128xf32, #tpu.memory_space<hbm>>) target(%arg14 : memref<128x128xf32, #tpu.memory_space<vmem>>) offsets(%dma_start3A_425 : memref<128xi32, #tpu.memory_space<vmem>>) semaphore(%arg23 : memref<!tpu.dma_semaphore, #tpu.memory_space<semaphore_mem>>)
    %dma_wait3A_431 = arith.constant 128 : i32
    %dma_wait3A_432 = tpu.memref_slice %arg7[%dma_wait3A_431] : memref<1152xi32, #tpu.memory_space<vmem>> -> memref<128xi32, #tpu.memory_space<vmem>>
    %dma_wait3A_433 = arith.constant 0 : i32
    %dma_wait3A_434 = tpu.memref_slice %arg3[%mul3A_15, %dma_wait3A_433] : memref<1024x128xf32, #tpu.memory_space<hbm>> -> memref<32x128xf32, #tpu.memory_space<hbm>>
    %dma_wait3A_435 = arith.constant 0 : i32
    %dma_wait3A_436 = arith.constant 0 : i32
    %dma_wait3A_437 = tpu.memref_slice %dma_wait3A_434[%dma_wait3A_435, %dma_wait3A_436] : memref<32x128xf32, #tpu.memory_space<hbm>> -> memref<32x128xf32, #tpu.memory_space<hbm>>
    tpu.wait_indirect_dma semaphore(%arg19 : memref<!tpu.dma_semaphore, #tpu.memory_space<semaphore_mem>>) src(%dma_wait3A_437 : memref<32x128xf32, #tpu.memory_space<hbm>>) dst(%arg10 : memref<128x128xf32, #tpu.memory_space<vmem>>)
    %add3A_438 = arith.constant 128 : i32
    %add3A_439 = arith.addi %mul3A_2, %add3A_438 : i32
    %dma_start3A_440 = arith.constant 0 : i32
    %dma_start3A_441 = tpu.memref_slice %arg5[%add3A_439, %dma_start3A_440] : memref<36864x128xf32, #tpu.memory_space<hbm>> -> memref<128x128xf32, #tpu.memory_space<hbm>>
    %dma_start3A_442 = arith.constant 0 : i32
    %dma_start3A_443 = tpu.memref_slice %arg5[%add3A_439, %dma_start3A_442] : memref<36864x128xf32, #tpu.memory_space<hbm>> -> memref<128x128xf32, #tpu.memory_space<hbm>>
    tpu.enqueue_dma source(%arg10 : memref<128x128xf32, #tpu.memory_space<vmem>>) target(%dma_start3A_443 : memref<128x128xf32, #tpu.memory_space<hbm>>) target_semaphore(%arg25 : memref<!tpu.dma_semaphore, #tpu.memory_space<semaphore_mem>>)
    %dma_wait3A_444 = arith.constant 0 : i32
    %dma_wait3A_445 = tpu.memref_slice %arg5[%add3A_417, %dma_wait3A_444] : memref<36864x128xf32, #tpu.memory_space<hbm>> -> memref<128x128xf32, #tpu.memory_space<hbm>>
    %dma_wait3A_446 = arith.constant 0 : i32
    %dma_wait3A_447 = tpu.memref_slice %arg5[%add3A_417, %dma_wait3A_446] : memref<36864x128xf32, #tpu.memory_space<hbm>> -> memref<128x128xf32, #tpu.memory_space<hbm>>
    tpu.wait_dma2 semaphore(%arg24 : memref<!tpu.dma_semaphore, #tpu.memory_space<semaphore_mem>>) src(%arg9 : memref<128x128xf32, #tpu.memory_space<vmem>>) dst(%dma_wait3A_447 : memref<128x128xf32, #tpu.memory_space<hbm>>)
    %mul3A_448 = arith.constant 32 : i32
    %mul3A_449 = arith.muli %add3A, %mul3A_448 : i32
    %dma_start3A_450 = arith.constant 768 : i32
    %dma_start3A_451 = tpu.memref_slice %arg7[%dma_start3A_450] : memref<1152xi32, #tpu.memory_space<vmem>> -> memref<128xi32, #tpu.memory_space<vmem>>
    %dma_start3A_452 = arith.constant 0 : i32
    %dma_start3A_453 = tpu.memref_slice %arg3[%mul3A_449, %dma_start3A_452] : memref<1024x128xf32, #tpu.memory_space<hbm>> -> memref<32x128xf32, #tpu.memory_space<hbm>>
    %dma_start3A_454 = arith.constant 0 : i32
    %dma_start3A_455 = arith.constant 0 : i32
    %dma_start3A_456 = tpu.memref_slice %dma_start3A_453[%dma_start3A_454, %dma_start3A_455] : memref<32x128xf32, #tpu.memory_space<hbm>> -> memref<32x128xf32, #tpu.memory_space<hbm>>
    tpu.enqueue_indirect_dma source(%dma_start3A_456 : memref<32x128xf32, #tpu.memory_space<hbm>>) target(%arg9 : memref<128x128xf32, #tpu.memory_space<vmem>>) offsets(%dma_start3A_451 : memref<128xi32, #tpu.memory_space<vmem>>) semaphore(%arg18 : memref<!tpu.dma_semaphore, #tpu.memory_space<semaphore_mem>>)
    %dma_wait3A_457 = arith.constant 256 : i32
    %dma_wait3A_458 = tpu.memref_slice %arg7[%dma_wait3A_457] : memref<1152xi32, #tpu.memory_space<vmem>> -> memref<128xi32, #tpu.memory_space<vmem>>
    %dma_wait3A_459 = arith.constant 0 : i32
    %dma_wait3A_460 = tpu.memref_slice %arg3[%mul3A_24, %dma_wait3A_459] : memref<1024x128xf32, #tpu.memory_space<hbm>> -> memref<32x128xf32, #tpu.memory_space<hbm>>
    %dma_wait3A_461 = arith.constant 0 : i32
    %dma_wait3A_462 = arith.constant 0 : i32
    %dma_wait3A_463 = tpu.memref_slice %dma_wait3A_460[%dma_wait3A_461, %dma_wait3A_462] : memref<32x128xf32, #tpu.memory_space<hbm>> -> memref<32x128xf32, #tpu.memory_space<hbm>>
    tpu.wait_indirect_dma semaphore(%arg20 : memref<!tpu.dma_semaphore, #tpu.memory_space<semaphore_mem>>) src(%dma_wait3A_463 : memref<32x128xf32, #tpu.memory_space<hbm>>) dst(%arg11 : memref<128x128xf32, #tpu.memory_space<vmem>>)
    %add3A_464 = arith.constant 256 : i32
    %add3A_465 = arith.addi %mul3A_2, %add3A_464 : i32
    %dma_start3A_466 = arith.constant 0 : i32
    %dma_start3A_467 = tpu.memref_slice %arg5[%add3A_465, %dma_start3A_466] : memref<36864x128xf32, #tpu.memory_space<hbm>> -> memref<128x128xf32, #tpu.memory_space<hbm>>
    %dma_start3A_468 = arith.constant 0 : i32
    %dma_start3A_469 = tpu.memref_slice %arg5[%add3A_465, %dma_start3A_468] : memref<36864x128xf32, #tpu.memory_space<hbm>> -> memref<128x128xf32, #tpu.memory_space<hbm>>
    tpu.enqueue_dma source(%arg11 : memref<128x128xf32, #tpu.memory_space<vmem>>) target(%dma_start3A_469 : memref<128x128xf32, #tpu.memory_space<hbm>>) target_semaphore(%arg26 : memref<!tpu.dma_semaphore, #tpu.memory_space<semaphore_mem>>)
    %dma_wait3A_470 = arith.constant 0 : i32
    %dma_wait3A_471 = tpu.memref_slice %arg5[%add3A_439, %dma_wait3A_470] : memref<36864x128xf32, #tpu.memory_space<hbm>> -> memref<128x128xf32, #tpu.memory_space<hbm>>
    %dma_wait3A_472 = arith.constant 0 : i32
    %dma_wait3A_473 = tpu.memref_slice %arg5[%add3A_439, %dma_wait3A_472] : memref<36864x128xf32, #tpu.memory_space<hbm>> -> memref<128x128xf32, #tpu.memory_space<hbm>>
    tpu.wait_dma2 semaphore(%arg25 : memref<!tpu.dma_semaphore, #tpu.memory_space<semaphore_mem>>) src(%arg10 : memref<128x128xf32, #tpu.memory_space<vmem>>) dst(%dma_wait3A_473 : memref<128x128xf32, #tpu.memory_space<hbm>>)
    %mul3A_474 = arith.constant 32 : i32
    %mul3A_475 = arith.muli %add3A, %mul3A_474 : i32
    %dma_start3A_476 = arith.constant 896 : i32
    %dma_start3A_477 = tpu.memref_slice %arg7[%dma_start3A_476] : memref<1152xi32, #tpu.memory_space<vmem>> -> memref<128xi32, #tpu.memory_space<vmem>>
    %dma_start3A_478 = arith.constant 0 : i32
    %dma_start3A_479 = tpu.memref_slice %arg3[%mul3A_475, %dma_start3A_478] : memref<1024x128xf32, #tpu.memory_space<hbm>> -> memref<32x128xf32, #tpu.memory_space<hbm>>
    %dma_start3A_480 = arith.constant 0 : i32
    %dma_start3A_481 = arith.constant 0 : i32
    %dma_start3A_482 = tpu.memref_slice %dma_start3A_479[%dma_start3A_480, %dma_start3A_481] : memref<32x128xf32, #tpu.memory_space<hbm>> -> memref<32x128xf32, #tpu.memory_space<hbm>>
    tpu.enqueue_indirect_dma source(%dma_start3A_482 : memref<32x128xf32, #tpu.memory_space<hbm>>) target(%arg10 : memref<128x128xf32, #tpu.memory_space<vmem>>) offsets(%dma_start3A_477 : memref<128xi32, #tpu.memory_space<vmem>>) semaphore(%arg19 : memref<!tpu.dma_semaphore, #tpu.memory_space<semaphore_mem>>)
    %dma_wait3A_483 = arith.constant 384 : i32
    %dma_wait3A_484 = tpu.memref_slice %arg7[%dma_wait3A_483] : memref<1152xi32, #tpu.memory_space<vmem>> -> memref<128xi32, #tpu.memory_space<vmem>>
    %dma_wait3A_485 = arith.constant 0 : i32
    %dma_wait3A_486 = tpu.memref_slice %arg3[%mul3A_33, %dma_wait3A_485] : memref<1024x128xf32, #tpu.memory_space<hbm>> -> memref<32x128xf32, #tpu.memory_space<hbm>>
    %dma_wait3A_487 = arith.constant 0 : i32
    %dma_wait3A_488 = arith.constant 0 : i32
    %dma_wait3A_489 = tpu.memref_slice %dma_wait3A_486[%dma_wait3A_487, %dma_wait3A_488] : memref<32x128xf32, #tpu.memory_space<hbm>> -> memref<32x128xf32, #tpu.memory_space<hbm>>
    tpu.wait_indirect_dma semaphore(%arg21 : memref<!tpu.dma_semaphore, #tpu.memory_space<semaphore_mem>>) src(%dma_wait3A_489 : memref<32x128xf32, #tpu.memory_space<hbm>>) dst(%arg12 : memref<128x128xf32, #tpu.memory_space<vmem>>)
    %add3A_490 = arith.constant 384 : i32
    %add3A_491 = arith.addi %mul3A_2, %add3A_490 : i32
    %dma_start3A_492 = arith.constant 0 : i32
    %dma_start3A_493 = tpu.memref_slice %arg5[%add3A_491, %dma_start3A_492] : memref<36864x128xf32, #tpu.memory_space<hbm>> -> memref<128x128xf32, #tpu.memory_space<hbm>>
    %dma_start3A_494 = arith.constant 0 : i32
    %dma_start3A_495 = tpu.memref_slice %arg5[%add3A_491, %dma_start3A_494] : memref<36864x128xf32, #tpu.memory_space<hbm>> -> memref<128x128xf32, #tpu.memory_space<hbm>>
    tpu.enqueue_dma source(%arg12 : memref<128x128xf32, #tpu.memory_space<vmem>>) target(%dma_start3A_495 : memref<128x128xf32, #tpu.memory_space<hbm>>) target_semaphore(%arg27 : memref<!tpu.dma_semaphore, #tpu.memory_space<semaphore_mem>>)
    %dma_wait3A_496 = arith.constant 0 : i32
    %dma_wait3A_497 = tpu.memref_slice %arg5[%add3A_465, %dma_wait3A_496] : memref<36864x128xf32, #tpu.memory_space<hbm>> -> memref<128x128xf32, #tpu.memory_space<hbm>>
    %dma_wait3A_498 = arith.constant 0 : i32
    %dma_wait3A_499 = tpu.memref_slice %arg5[%add3A_465, %dma_wait3A_498] : memref<36864x128xf32, #tpu.memory_space<hbm>> -> memref<128x128xf32, #tpu.memory_space<hbm>>
    tpu.wait_dma2 semaphore(%arg26 : memref<!tpu.dma_semaphore, #tpu.memory_space<semaphore_mem>>) src(%arg11 : memref<128x128xf32, #tpu.memory_space<vmem>>) dst(%dma_wait3A_499 : memref<128x128xf32, #tpu.memory_space<hbm>>)
    %mul3A_500 = arith.constant 32 : i32
    %mul3A_501 = arith.muli %add3A, %mul3A_500 : i32
    %dma_start3A_502 = arith.constant 1024 : i32
    %dma_start3A_503 = tpu.memref_slice %arg7[%dma_start3A_502] : memref<1152xi32, #tpu.memory_space<vmem>> -> memref<128xi32, #tpu.memory_space<vmem>>
    %dma_start3A_504 = arith.constant 0 : i32
    %dma_start3A_505 = tpu.memref_slice %arg3[%mul3A_501, %dma_start3A_504] : memref<1024x128xf32, #tpu.memory_space<hbm>> -> memref<32x128xf32, #tpu.memory_space<hbm>>
    %dma_start3A_506 = arith.constant 0 : i32
    %dma_start3A_507 = arith.constant 0 : i32
    %dma_start3A_508 = tpu.memref_slice %dma_start3A_505[%dma_start3A_506, %dma_start3A_507] : memref<32x128xf32, #tpu.memory_space<hbm>> -> memref<32x128xf32, #tpu.memory_space<hbm>>
    tpu.enqueue_indirect_dma source(%dma_start3A_508 : memref<32x128xf32, #tpu.memory_space<hbm>>) target(%arg11 : memref<128x128xf32, #tpu.memory_space<vmem>>) offsets(%dma_start3A_503 : memref<128xi32, #tpu.memory_space<vmem>>) semaphore(%arg20 : memref<!tpu.dma_semaphore, #tpu.memory_space<semaphore_mem>>)
    %dma_wait3A_509 = arith.constant 512 : i32
    %dma_wait3A_510 = tpu.memref_slice %arg7[%dma_wait3A_509] : memref<1152xi32, #tpu.memory_space<vmem>> -> memref<128xi32, #tpu.memory_space<vmem>>
    %dma_wait3A_511 = arith.constant 0 : i32
    %dma_wait3A_512 = tpu.memref_slice %arg3[%mul3A_42, %dma_wait3A_511] : memref<1024x128xf32, #tpu.memory_space<hbm>> -> memref<32x128xf32, #tpu.memory_space<hbm>>
    %dma_wait3A_513 = arith.constant 0 : i32
    %dma_wait3A_514 = arith.constant 0 : i32
    %dma_wait3A_515 = tpu.memref_slice %dma_wait3A_512[%dma_wait3A_513, %dma_wait3A_514] : memref<32x128xf32, #tpu.memory_space<hbm>> -> memref<32x128xf32, #tpu.memory_space<hbm>>
    tpu.wait_indirect_dma semaphore(%arg22 : memref<!tpu.dma_semaphore, #tpu.memory_space<semaphore_mem>>) src(%dma_wait3A_515 : memref<32x128xf32, #tpu.memory_space<hbm>>) dst(%arg13 : memref<128x128xf32, #tpu.memory_space<vmem>>)
    %add3A_516 = arith.constant 512 : i32
    %add3A_517 = arith.addi %mul3A_2, %add3A_516 : i32
    %dma_start3A_518 = arith.constant 0 : i32
    %dma_start3A_519 = tpu.memref_slice %arg5[%add3A_517, %dma_start3A_518] : memref<36864x128xf32, #tpu.memory_space<hbm>> -> memref<128x128xf32, #tpu.memory_space<hbm>>
    %dma_start3A_520 = arith.constant 0 : i32
    %dma_start3A_521 = tpu.memref_slice %arg5[%add3A_517, %dma_start3A_520] : memref<36864x128xf32, #tpu.memory_space<hbm>> -> memref<128x128xf32, #tpu.memory_space<hbm>>
    tpu.enqueue_dma source(%arg13 : memref<128x128xf32, #tpu.memory_space<vmem>>) target(%dma_start3A_521 : memref<128x128xf32, #tpu.memory_space<hbm>>) target_semaphore(%arg28 : memref<!tpu.dma_semaphore, #tpu.memory_space<semaphore_mem>>)
    %dma_wait3A_522 = arith.constant 640 : i32
    %dma_wait3A_523 = tpu.memref_slice %arg7[%dma_wait3A_522] : memref<1152xi32, #tpu.memory_space<vmem>> -> memref<128xi32, #tpu.memory_space<vmem>>
    %dma_wait3A_524 = arith.constant 0 : i32
    %dma_wait3A_525 = tpu.memref_slice %arg3[%mul3A_423, %dma_wait3A_524] : memref<1024x128xf32, #tpu.memory_space<hbm>> -> memref<32x128xf32, #tpu.memory_space<hbm>>
    %dma_wait3A_526 = arith.constant 0 : i32
    %dma_wait3A_527 = arith.constant 0 : i32
    %dma_wait3A_528 = tpu.memref_slice %dma_wait3A_525[%dma_wait3A_526, %dma_wait3A_527] : memref<32x128xf32, #tpu.memory_space<hbm>> -> memref<32x128xf32, #tpu.memory_space<hbm>>
    tpu.wait_indirect_dma semaphore(%arg23 : memref<!tpu.dma_semaphore, #tpu.memory_space<semaphore_mem>>) src(%dma_wait3A_528 : memref<32x128xf32, #tpu.memory_space<hbm>>) dst(%arg14 : memref<128x128xf32, #tpu.memory_space<vmem>>)
    %add3A_529 = arith.constant 640 : i32
    %add3A_530 = arith.addi %mul3A_2, %add3A_529 : i32
    %dma_start3A_531 = arith.constant 0 : i32
    %dma_start3A_532 = tpu.memref_slice %arg5[%add3A_530, %dma_start3A_531] : memref<36864x128xf32, #tpu.memory_space<hbm>> -> memref<128x128xf32, #tpu.memory_space<hbm>>
    %dma_start3A_533 = arith.constant 0 : i32
    %dma_start3A_534 = tpu.memref_slice %arg5[%add3A_530, %dma_start3A_533] : memref<36864x128xf32, #tpu.memory_space<hbm>> -> memref<128x128xf32, #tpu.memory_space<hbm>>
    tpu.enqueue_dma source(%arg14 : memref<128x128xf32, #tpu.memory_space<vmem>>) target(%dma_start3A_534 : memref<128x128xf32, #tpu.memory_space<hbm>>) target_semaphore(%arg29 : memref<!tpu.dma_semaphore, #tpu.memory_space<semaphore_mem>>)
    %dma_wait3A_535 = arith.constant 768 : i32
    %dma_wait3A_536 = tpu.memref_slice %arg7[%dma_wait3A_535] : memref<1152xi32, #tpu.memory_space<vmem>> -> memref<128xi32, #tpu.memory_space<vmem>>
    %dma_wait3A_537 = arith.constant 0 : i32
    %dma_wait3A_538 = tpu.memref_slice %arg3[%mul3A_449, %dma_wait3A_537] : memref<1024x128xf32, #tpu.memory_space<hbm>> -> memref<32x128xf32, #tpu.memory_space<hbm>>
    %dma_wait3A_539 = arith.constant 0 : i32
    %dma_wait3A_540 = arith.constant 0 : i32
    %dma_wait3A_541 = tpu.memref_slice %dma_wait3A_538[%dma_wait3A_539, %dma_wait3A_540] : memref<32x128xf32, #tpu.memory_space<hbm>> -> memref<32x128xf32, #tpu.memory_space<hbm>>
    tpu.wait_indirect_dma semaphore(%arg18 : memref<!tpu.dma_semaphore, #tpu.memory_space<semaphore_mem>>) src(%dma_wait3A_541 : memref<32x128xf32, #tpu.memory_space<hbm>>) dst(%arg9 : memref<128x128xf32, #tpu.memory_space<vmem>>)
    %add3A_542 = arith.constant 768 : i32
    %add3A_543 = arith.addi %mul3A_2, %add3A_542 : i32
    %dma_start3A_544 = arith.constant 0 : i32
    %dma_start3A_545 = tpu.memref_slice %arg5[%add3A_543, %dma_start3A_544] : memref<36864x128xf32, #tpu.memory_space<hbm>> -> memref<128x128xf32, #tpu.memory_space<hbm>>
    %dma_start3A_546 = arith.constant 0 : i32
    %dma_start3A_547 = tpu.memref_slice %arg5[%add3A_543, %dma_start3A_546] : memref<36864x128xf32, #tpu.memory_space<hbm>> -> memref<128x128xf32, #tpu.memory_space<hbm>>
    tpu.enqueue_dma source(%arg9 : memref<128x128xf32, #tpu.memory_space<vmem>>) target(%dma_start3A_547 : memref<128x128xf32, #tpu.memory_space<hbm>>) target_semaphore(%arg24 : memref<!tpu.dma_semaphore, #tpu.memory_space<semaphore_mem>>)
    %dma_wait3A_548 = arith.constant 896 : i32
    %dma_wait3A_549 = tpu.memref_slice %arg7[%dma_wait3A_548] : memref<1152xi32, #tpu.memory_space<vmem>> -> memref<128xi32, #tpu.memory_space<vmem>>
    %dma_wait3A_550 = arith.constant 0 : i32
    %dma_wait3A_551 = tpu.memref_slice %arg3[%mul3A_475, %dma_wait3A_550] : memref<1024x128xf32, #tpu.memory_space<hbm>> -> memref<32x128xf32, #tpu.memory_space<hbm>>
    %dma_wait3A_552 = arith.constant 0 : i32
    %dma_wait3A_553 = arith.constant 0 : i32
    %dma_wait3A_554 = tpu.memref_slice %dma_wait3A_551[%dma_wait3A_552, %dma_wait3A_553] : memref<32x128xf32, #tpu.memory_space<hbm>> -> memref<32x128xf32, #tpu.memory_space<hbm>>
    tpu.wait_indirect_dma semaphore(%arg19 : memref<!tpu.dma_semaphore, #tpu.memory_space<semaphore_mem>>) src(%dma_wait3A_554 : memref<32x128xf32, #tpu.memory_space<hbm>>) dst(%arg10 : memref<128x128xf32, #tpu.memory_space<vmem>>)
    %add3A_555 = arith.constant 896 : i32
    %add3A_556 = arith.addi %mul3A_2, %add3A_555 : i32
    %dma_start3A_557 = arith.constant 0 : i32
    %dma_start3A_558 = tpu.memref_slice %arg5[%add3A_556, %dma_start3A_557] : memref<36864x128xf32, #tpu.memory_space<hbm>> -> memref<128x128xf32, #tpu.memory_space<hbm>>
    %dma_start3A_559 = arith.constant 0 : i32
    %dma_start3A_560 = tpu.memref_slice %arg5[%add3A_556, %dma_start3A_559] : memref<36864x128xf32, #tpu.memory_space<hbm>> -> memref<128x128xf32, #tpu.memory_space<hbm>>
    tpu.enqueue_dma source(%arg10 : memref<128x128xf32, #tpu.memory_space<vmem>>) target(%dma_start3A_560 : memref<128x128xf32, #tpu.memory_space<hbm>>) target_semaphore(%arg25 : memref<!tpu.dma_semaphore, #tpu.memory_space<semaphore_mem>>)
    %dma_wait3A_561 = arith.constant 1024 : i32
    %dma_wait3A_562 = tpu.memref_slice %arg7[%dma_wait3A_561] : memref<1152xi32, #tpu.memory_space<vmem>> -> memref<128xi32, #tpu.memory_space<vmem>>
    %dma_wait3A_563 = arith.constant 0 : i32
    %dma_wait3A_564 = tpu.memref_slice %arg3[%mul3A_501, %dma_wait3A_563] : memref<1024x128xf32, #tpu.memory_space<hbm>> -> memref<32x128xf32, #tpu.memory_space<hbm>>
    %dma_wait3A_565 = arith.constant 0 : i32
    %dma_wait3A_566 = arith.constant 0 : i32
    %dma_wait3A_567 = tpu.memref_slice %dma_wait3A_564[%dma_wait3A_565, %dma_wait3A_566] : memref<32x128xf32, #tpu.memory_space<hbm>> -> memref<32x128xf32, #tpu.memory_space<hbm>>
    tpu.wait_indirect_dma semaphore(%arg20 : memref<!tpu.dma_semaphore, #tpu.memory_space<semaphore_mem>>) src(%dma_wait3A_567 : memref<32x128xf32, #tpu.memory_space<hbm>>) dst(%arg11 : memref<128x128xf32, #tpu.memory_space<vmem>>)
    %add3A_568 = arith.constant 1024 : i32
    %add3A_569 = arith.addi %mul3A_2, %add3A_568 : i32
    %dma_start3A_570 = arith.constant 0 : i32
    %dma_start3A_571 = tpu.memref_slice %arg5[%add3A_569, %dma_start3A_570] : memref<36864x128xf32, #tpu.memory_space<hbm>> -> memref<128x128xf32, #tpu.memory_space<hbm>>
    %dma_start3A_572 = arith.constant 0 : i32
    %dma_start3A_573 = tpu.memref_slice %arg5[%add3A_569, %dma_start3A_572] : memref<36864x128xf32, #tpu.memory_space<hbm>> -> memref<128x128xf32, #tpu.memory_space<hbm>>
    tpu.enqueue_dma source(%arg11 : memref<128x128xf32, #tpu.memory_space<vmem>>) target(%dma_start3A_573 : memref<128x128xf32, #tpu.memory_space<hbm>>) target_semaphore(%arg26 : memref<!tpu.dma_semaphore, #tpu.memory_space<semaphore_mem>>)
    %dma_wait3A_574 = arith.constant 0 : i32
    %dma_wait3A_575 = tpu.memref_slice %arg5[%add3A_543, %dma_wait3A_574] : memref<36864x128xf32, #tpu.memory_space<hbm>> -> memref<128x128xf32, #tpu.memory_space<hbm>>
    %dma_wait3A_576 = arith.constant 0 : i32
    %dma_wait3A_577 = tpu.memref_slice %arg5[%add3A_543, %dma_wait3A_576] : memref<36864x128xf32, #tpu.memory_space<hbm>> -> memref<128x128xf32, #tpu.memory_space<hbm>>
    tpu.wait_dma2 semaphore(%arg24 : memref<!tpu.dma_semaphore, #tpu.memory_space<semaphore_mem>>) src(%arg9 : memref<128x128xf32, #tpu.memory_space<vmem>>) dst(%dma_wait3A_577 : memref<128x128xf32, #tpu.memory_space<hbm>>)
    %dma_wait3A_578 = arith.constant 0 : i32
    %dma_wait3A_579 = tpu.memref_slice %arg5[%add3A_556, %dma_wait3A_578] : memref<36864x128xf32, #tpu.memory_space<hbm>> -> memref<128x128xf32, #tpu.memory_space<hbm>>
    %dma_wait3A_580 = arith.constant 0 : i32
    %dma_wait3A_581 = tpu.memref_slice %arg5[%add3A_556, %dma_wait3A_580] : memref<36864x128xf32, #tpu.memory_space<hbm>> -> memref<128x128xf32, #tpu.memory_space<hbm>>
    tpu.wait_dma2 semaphore(%arg25 : memref<!tpu.dma_semaphore, #tpu.memory_space<semaphore_mem>>) src(%arg10 : memref<128x128xf32, #tpu.memory_space<vmem>>) dst(%dma_wait3A_581 : memref<128x128xf32, #tpu.memory_space<hbm>>)
    %dma_wait3A_582 = arith.constant 0 : i32
    %dma_wait3A_583 = tpu.memref_slice %arg5[%add3A_569, %dma_wait3A_582] : memref<36864x128xf32, #tpu.memory_space<hbm>> -> memref<128x128xf32, #tpu.memory_space<hbm>>
    %dma_wait3A_584 = arith.constant 0 : i32
    %dma_wait3A_585 = tpu.memref_slice %arg5[%add3A_569, %dma_wait3A_584] : memref<36864x128xf32, #tpu.memory_space<hbm>> -> memref<128x128xf32, #tpu.memory_space<hbm>>
    tpu.wait_dma2 semaphore(%arg26 : memref<!tpu.dma_semaphore, #tpu.memory_space<semaphore_mem>>) src(%arg11 : memref<128x128xf32, #tpu.memory_space<vmem>>) dst(%dma_wait3A_585 : memref<128x128xf32, #tpu.memory_space<hbm>>)
    %dma_wait3A_586 = arith.constant 0 : i32
    %dma_wait3A_587 = tpu.memref_slice %arg5[%add3A_491, %dma_wait3A_586] : memref<36864x128xf32, #tpu.memory_space<hbm>> -> memref<128x128xf32, #tpu.memory_space<hbm>>
    %dma_wait3A_588 = arith.constant 0 : i32
    %dma_wait3A_589 = tpu.memref_slice %arg5[%add3A_491, %dma_wait3A_588] : memref<36864x128xf32, #tpu.memory_space<hbm>> -> memref<128x128xf32, #tpu.memory_space<hbm>>
    tpu.wait_dma2 semaphore(%arg27 : memref<!tpu.dma_semaphore, #tpu.memory_space<semaphore_mem>>) src(%arg12 : memref<128x128xf32, #tpu.memory_space<vmem>>) dst(%dma_wait3A_589 : memref<128x128xf32, #tpu.memory_space<hbm>>)
    %dma_wait3A_590 = arith.constant 0 : i32
    %dma_wait3A_591 = tpu.memref_slice %arg5[%add3A_517, %dma_wait3A_590] : memref<36864x128xf32, #tpu.memory_space<hbm>> -> memref<128x128xf32, #tpu.memory_space<hbm>>
    %dma_wait3A_592 = arith.constant 0 : i32
    %dma_wait3A_593 = tpu.memref_slice %arg5[%add3A_517, %dma_wait3A_592] : memref<36864x128xf32, #tpu.memory_space<hbm>> -> memref<128x128xf32, #tpu.memory_space<hbm>>
    tpu.wait_dma2 semaphore(%arg28 : memref<!tpu.dma_semaphore, #tpu.memory_space<semaphore_mem>>) src(%arg13 : memref<128x128xf32, #tpu.memory_space<vmem>>) dst(%dma_wait3A_593 : memref<128x128xf32, #tpu.memory_space<hbm>>)
    %dma_wait3A_594 = arith.constant 0 : i32
    %dma_wait3A_595 = tpu.memref_slice %arg5[%add3A_530, %dma_wait3A_594] : memref<36864x128xf32, #tpu.memory_space<hbm>> -> memref<128x128xf32, #tpu.memory_space<hbm>>
    %dma_wait3A_596 = arith.constant 0 : i32
    %dma_wait3A_597 = tpu.memref_slice %arg5[%add3A_530, %dma_wait3A_596] : memref<36864x128xf32, #tpu.memory_space<hbm>> -> memref<128x128xf32, #tpu.memory_space<hbm>>
    tpu.wait_dma2 semaphore(%arg29 : memref<!tpu.dma_semaphore, #tpu.memory_space<semaphore_mem>>) src(%arg14 : memref<128x128xf32, #tpu.memory_space<vmem>>) dst(%dma_wait3A_597 : memref<128x128xf32, #tpu.memory_space<hbm>>)
    %dma_wait3A_598 = tpu.memref_slice %arg6[%mul3A_2] : memref<36864xi32, #tpu.memory_space<hbm>> -> memref<1152xi32, #tpu.memory_space<hbm>>
    %dma_wait3A_599 = tpu.memref_slice %arg6[%mul3A_2] : memref<36864xi32, #tpu.memory_space<hbm>> -> memref<1152xi32, #tpu.memory_space<hbm>>
    tpu.wait_dma2 semaphore(%arg17 : memref<!tpu.dma_semaphore, #tpu.memory_space<semaphore_mem>>) src(%arg15 : memref<1152xi32, #tpu.memory_space<vmem>>) dst(%dma_wait3A_599 : memref<1152xi32, #tpu.memory_space<hbm>>)
    return
  }
}

module attributes {stable_mosaic.version = 14 : i64} {
  func.func @_tc_body(%arg0: memref<64x576xi32, #tpu.memory_space<vmem>>, %arg1: memref<32x128xf32, #tpu.memory_space<vmem>>, %arg2: memref<1024x128xf32, #tpu.memory_space<vmem>>, %arg3: memref<32x128xf32, #tpu.memory_space<vmem>>, %arg4: memref<32x1xi32, #tpu.memory_space<vmem>>, %arg5: memref<1x1xf32, #tpu.memory_space<vmem>>, %arg6: memref<1x1xf32, #tpu.memory_space<vmem>>, %arg7: memref<1024x128xf32, #tpu.memory_space<vmem>>) attributes {dimension_semantics = [], scalar_prefetch = 0 : i64, scratch_operands = 0 : i64, tpu.core_type = #tpu.core_type<tc>} {
    %get3A = arith.constant 0 : index
    %get3A_0 = arith.constant 0 : index
    %get3A_1 = vector.load %arg1[%get3A, %get3A_0] : memref<32x128xf32, #tpu.memory_space<vmem>>, vector<32x128xf32>
    %get3A_2 = arith.constant 0 : index
    %get3A_3 = arith.constant 0 : index
    %get3A_4 = vector.load %arg2[%get3A_2, %get3A_3] : memref<1024x128xf32, #tpu.memory_space<vmem>>, vector<1024x128xf32>
    %transpose3A = tpu.transpose %get3A_4, [1, 0] : vector<1024x128xf32> -> vector<128x1024xf32>
    %dot_general3A = arith.constant dense<0.000000e+00> : vector<32x1024xf32>
    %dot_general3A_5 = tpu.matmul %get3A_1, %transpose3A, %dot_general3A {dimension_numbers = #tpu.dot_dimension_numbers<[1], [0], [0], [1], [0, 0, 1, 1], [], []>, transpose_lhs_hint = false} : vector<32x128xf32>, vector<128x1024xf32>, vector<32x1024xf32> -> vector<32x1024xf32>
    %mul3A = arith.mulf %get3A_1, %get3A_1 : vector<32x128xf32>
    %reduce_sum3A = arith.constant dense<0.000000e+00> : vector<32xf32>
    %reduce_sum3A_6 = vector.multi_reduction <add>, %mul3A, %reduce_sum3A [1] : vector<32x128xf32> to vector<32xf32>
    %broadcast_in_dim3A = vector.shape_cast %reduce_sum3A_6 : vector<32xf32> to vector<32x1xf32>
    %mul3A_7 = arith.mulf %transpose3A, %transpose3A : vector<128x1024xf32>
    %reduce_sum3A_8 = arith.constant dense<0.000000e+00> : vector<1024xf32>
    %reduce_sum3A_9 = vector.multi_reduction <add>, %mul3A_7, %reduce_sum3A_8 [0] : vector<128x1024xf32> to vector<1024xf32>
    %broadcast_in_dim3A_10 = vector.shape_cast %reduce_sum3A_9 : vector<1024xf32> to vector<1x1024xf32>
    %mul3A_11 = arith.constant 2.000000e+00 : f32
    %mul3A_12 = vector.broadcast %mul3A_11 : f32 to vector<32x1024xf32>
    %mul3A_13 = arith.mulf %mul3A_12, %dot_general3A_5 : vector<32x1024xf32>
    %sub3A = vector.broadcast %broadcast_in_dim3A : vector<32x1xf32> to vector<32x1024xf32>
    %sub3A_14 = arith.subf %sub3A, %mul3A_13 : vector<32x1024xf32>
    %add3A = vector.broadcast %broadcast_in_dim3A_10 : vector<1x1024xf32> to vector<32x1024xf32>
    %add3A_15 = arith.addf %sub3A_14, %add3A : vector<32x1024xf32>
    %reduce_min3A = arith.constant dense<0x7F800000> : vector<32xf32>
    %reduce_min3A_16 = vector.multi_reduction <minimumf>, %add3A_15, %reduce_min3A [1] : vector<32x1024xf32> to vector<32xf32>
    %broadcast_in_dim3A_17 = vector.shape_cast %reduce_min3A_16 : vector<32xf32> to vector<32x1xf32>
    %iota3A = tpu.iota {dimensions = array<i32: 1>} : vector<32x1024xi32>
    %eq3A = vector.broadcast %broadcast_in_dim3A_17 : vector<32x1xf32> to vector<32x1024xf32>
    %eq3A_18 = arith.cmpf oeq, %add3A_15, %eq3A : vector<32x1024xf32>
    %jit3A = arith.constant 1024 : i32
    %broadcast_in_dim3A_19 = vector.broadcast %jit3A : i32 to vector<32x1024xi32>
    %select_n3A = arith.select %eq3A_18, %iota3A, %broadcast_in_dim3A_19 : vector<32x1024xi1>, vector<32x1024xi32>
    %reduce_min3A_20 = arith.constant dense<2147483647> : vector<32xi32>
    %reduce_min3A_21 = vector.multi_reduction <minsi>, %select_n3A, %reduce_min3A_20 [1] : vector<32x1024xi32> to vector<32xi32>
    %broadcast_in_dim3A_22 = vector.shape_cast %reduce_min3A_21 : vector<32xi32> to vector<32x1xi32>
    %eq3A_23 = vector.broadcast %broadcast_in_dim3A_22 : vector<32x1xi32> to vector<32x1024xi32>
    %eq3A_24 = arith.cmpi eq, %iota3A, %eq3A_23 : vector<32x1024xi32>
    %convert_element_type3A = arith.extui %eq3A_24 : vector<32x1024xi1> to vector<32x1024xi32>
    %convert_element_type3A_25 = arith.sitofp %convert_element_type3A : vector<32x1024xi32> to vector<32x1024xf32>
    %dot_general3A_26 = arith.constant dense<0.000000e+00> : vector<32x128xf32>
    %dot_general3A_27 = tpu.matmul %convert_element_type3A_25, %get3A_4, %dot_general3A_26 {dimension_numbers = #tpu.dot_dimension_numbers<[1], [0], [0], [1], [0, 0, 1, 1], [], []>, transpose_lhs_hint = false} : vector<32x1024xf32>, vector<1024x128xf32>, vector<32x128xf32> -> vector<32x128xf32>
    %swap3A = arith.constant 0 : index
    %swap3A_28 = arith.constant 0 : index
    %swap3A_29 = vector.load %arg3[%swap3A, %swap3A_28] : memref<32x128xf32, #tpu.memory_space<vmem>>, vector<32x128xf32>
    tpu.vector_store %arg3[%swap3A, %swap3A_28], %dot_general3A_27 {strides = array<i32>} : memref<32x128xf32, #tpu.memory_space<vmem>>, vector<32x128xf32>,
    %swap3A_30 = arith.constant 0 : index
    %swap3A_31 = arith.constant 0 : index
    %swap3A_32 = vector.load %arg4[%swap3A_30, %swap3A_31] : memref<32x1xi32, #tpu.memory_space<vmem>>, vector<32x1xi32>
    tpu.vector_store %arg4[%swap3A_30, %swap3A_31], %broadcast_in_dim3A_22 {strides = array<i32>} : memref<32x1xi32, #tpu.memory_space<vmem>>, vector<32x1xi32>,
    %iota3A_33 = tpu.iota {dimensions = array<i32: 0>} : vector<1024x32xi32>
    %jit3A_34 = arith.constant 32 : i32
    %eq3A_35 = arith.constant 0 : i32
    %eq3A_36 = arith.cmpi eq, %jit3A_34, %eq3A_35 : i32
    %jit3A_37 = arith.constant 1 : i32
    %select_n3A_38 = arith.select %eq3A_36, %jit3A_37, %jit3A_34 : i32
    %rem3A = vector.broadcast %select_n3A_38 : i32 to vector<1024x32xi32>
    %rem3A_39 = arith.remsi %iota3A_33, %rem3A : vector<1024x32xi32>
    %ne3A = arith.constant 0 : i32
    %ne3A_40 = vector.broadcast %ne3A : i32 to vector<1024x32xi32>
    %ne3A_41 = arith.cmpi ne, %rem3A_39, %ne3A_40 : vector<1024x32xi32>
    %lt3A = arith.constant 0 : i32
    %lt3A_42 = vector.broadcast %lt3A : i32 to vector<1024x32xi32>
    %lt3A_43 = arith.cmpi slt, %rem3A_39, %lt3A_42 : vector<1024x32xi32>
    %lt3A_44 = arith.constant 0 : i32
    %lt3A_45 = arith.cmpi slt, %select_n3A_38, %lt3A_44 : i32
    %ne3A_46 = vector.broadcast %lt3A_45 : i1 to vector<1024x32xi1>
    %ne3A_47 = vector.broadcast %ne3A_46 : vector<1024x32xi1> to vector<1024x32xi1>
    %ne3A_48 = arith.xori %lt3A_43, %ne3A_47 : vector<1024x32xi1>
    %and3A = arith.andi %ne3A_48, %ne3A_41 : vector<1024x32xi1>
    %add3A_49 = vector.broadcast %select_n3A_38 : i32 to vector<1024x32xi32>
    %add3A_50 = arith.addi %rem3A_39, %add3A_49 : vector<1024x32xi32>
    %select_n3A_51 = arith.select %and3A, %add3A_50, %rem3A_39 : vector<1024x32xi1>, vector<1024x32xi32>
    %iota3A_52 = tpu.iota {dimensions = array<i32: 1>} : vector<1024x32xi32>
    %eq3A_53 = arith.cmpi eq, %select_n3A_51, %iota3A_52 : vector<1024x32xi32>
    %convert_element_type3A_54 = arith.extui %eq3A_53 : vector<1024x32xi1> to vector<1024x32xi32>
    %convert_element_type3A_55 = arith.sitofp %convert_element_type3A_54 : vector<1024x32xi32> to vector<1024x32xf32>
    %dot_general3A_56 = arith.constant dense<0.000000e+00> : vector<1024x128xf32>
    %dot_general3A_57 = tpu.matmul %convert_element_type3A_55, %dot_general3A_27, %dot_general3A_56 {dimension_numbers = #tpu.dot_dimension_numbers<[1], [0], [0], [1], [0, 0, 1, 1], [], []>, transpose_lhs_hint = false} : vector<1024x32xf32>, vector<32x128xf32>, vector<1024x128xf32> -> vector<1024x128xf32>
    %swap3A_58 = arith.constant 0 : index
    %swap3A_59 = arith.constant 0 : index
    %swap3A_60 = vector.load %arg7[%swap3A_58, %swap3A_59] : memref<1024x128xf32, #tpu.memory_space<vmem>>, vector<1024x128xf32>
    tpu.vector_store %arg7[%swap3A_58, %swap3A_59], %dot_general3A_57 {strides = array<i32>} : memref<1024x128xf32, #tpu.memory_space<vmem>>, vector<1024x128xf32>,
    %sub3A_61 = arith.subf %get3A_1, %dot_general3A_27 : vector<32x128xf32>
    %mul3A_62 = arith.mulf %sub3A_61, %sub3A_61 : vector<32x128xf32>
    %reduce_sum3A_63 = arith.constant dense<0.000000e+00> : vector<32xf32>
    %reduce_sum3A_64 = vector.multi_reduction <add>, %mul3A_62, %reduce_sum3A_63 [1] : vector<32x128xf32> to vector<32xf32>
    %broadcast_in_dim3A_65 = vector.shape_cast %reduce_sum3A_64 : vector<32xf32> to vector<32x1xf32>
    %get3A_66 = arith.constant 0 : index
    %get3A_67 = arith.constant 0 : index
    %get3A_68 = vector.load %arg0[%get3A_66, %get3A_67] : memref<64x576xi32, #tpu.memory_space<vmem>>, vector<64x576xi32>
    %eq3A_69 = arith.constant 0 : i32
    %eq3A_70 = vector.broadcast %eq3A_69 : i32 to vector<64x576xi32>
    %eq3A_71 = arith.cmpi eq, %get3A_68, %eq3A_70 : vector<64x576xi32>
    %convert_element_type3A_72 = arith.extui %eq3A_71 : vector<64x576xi1> to vector<64x576xi32>
    %convert_element_type3A_73 = arith.sitofp %convert_element_type3A_72 : vector<64x576xi32> to vector<64x576xf32>
    %reduce_sum3A_74 = vector.shape_cast %convert_element_type3A_73 : vector<64x576xf32> to vector<1x64x576xf32>
    %reduce_sum3A_75 = arith.constant dense<0.000000e+00> : vector<1xf32>
    %reduce_sum3A_76 = vector.multi_reduction <add>, %reduce_sum3A_74, %reduce_sum3A_75 [1, 2] : vector<1x64x576xf32> to vector<1xf32>
    %reduce_sum3A_77 = vector.shape_cast %reduce_sum3A_76 : vector<1xf32> to vector<1x1x1xf32>
    %reduce_sum3A_78 = vector.extract %reduce_sum3A_77[0, 0, 0] : f32 from vector<1x1x1xf32>
    %broadcast_in_dim3A_79 = vector.broadcast %reduce_sum3A_78 : f32 to vector<1x1xf32>
    %eq3A_80 = arith.constant 1 : i32
    %eq3A_81 = vector.broadcast %eq3A_80 : i32 to vector<64x576xi32>
    %eq3A_82 = arith.cmpi eq, %get3A_68, %eq3A_81 : vector<64x576xi32>
    %convert_element_type3A_83 = arith.extui %eq3A_82 : vector<64x576xi1> to vector<64x576xi32>
    %convert_element_type3A_84 = arith.sitofp %convert_element_type3A_83 : vector<64x576xi32> to vector<64x576xf32>
    %reduce_sum3A_85 = vector.shape_cast %convert_element_type3A_84 : vector<64x576xf32> to vector<1x64x576xf32>
    %reduce_sum3A_86 = arith.constant dense<0.000000e+00> : vector<1xf32>
    %reduce_sum3A_87 = vector.multi_reduction <add>, %reduce_sum3A_85, %reduce_sum3A_86 [1, 2] : vector<1x64x576xf32> to vector<1xf32>
    %reduce_sum3A_88 = vector.shape_cast %reduce_sum3A_87 : vector<1xf32> to vector<1x1x1xf32>
    %reduce_sum3A_89 = vector.extract %reduce_sum3A_88[0, 0, 0] : f32 from vector<1x1x1xf32>
    %broadcast_in_dim3A_90 = vector.broadcast %reduce_sum3A_89 : f32 to vector<1x1xf32>
    %eq3A_91 = arith.constant 2 : i32
    %eq3A_92 = vector.broadcast %eq3A_91 : i32 to vector<64x576xi32>
    %eq3A_93 = arith.cmpi eq, %get3A_68, %eq3A_92 : vector<64x576xi32>
    %convert_element_type3A_94 = arith.extui %eq3A_93 : vector<64x576xi1> to vector<64x576xi32>
    %convert_element_type3A_95 = arith.sitofp %convert_element_type3A_94 : vector<64x576xi32> to vector<64x576xf32>
    %reduce_sum3A_96 = vector.shape_cast %convert_element_type3A_95 : vector<64x576xf32> to vector<1x64x576xf32>
    %reduce_sum3A_97 = arith.constant dense<0.000000e+00> : vector<1xf32>
    %reduce_sum3A_98 = vector.multi_reduction <add>, %reduce_sum3A_96, %reduce_sum3A_97 [1, 2] : vector<1x64x576xf32> to vector<1xf32>
    %reduce_sum3A_99 = vector.shape_cast %reduce_sum3A_98 : vector<1xf32> to vector<1x1x1xf32>
    %reduce_sum3A_100 = vector.extract %reduce_sum3A_99[0, 0, 0] : f32 from vector<1x1x1xf32>
    %broadcast_in_dim3A_101 = vector.broadcast %reduce_sum3A_100 : f32 to vector<1x1xf32>
    %eq3A_102 = arith.constant 3 : i32
    %eq3A_103 = vector.broadcast %eq3A_102 : i32 to vector<64x576xi32>
    %eq3A_104 = arith.cmpi eq, %get3A_68, %eq3A_103 : vector<64x576xi32>
    %convert_element_type3A_105 = arith.extui %eq3A_104 : vector<64x576xi1> to vector<64x576xi32>
    %convert_element_type3A_106 = arith.sitofp %convert_element_type3A_105 : vector<64x576xi32> to vector<64x576xf32>
    %reduce_sum3A_107 = vector.shape_cast %convert_element_type3A_106 : vector<64x576xf32> to vector<1x64x576xf32>
    %reduce_sum3A_108 = arith.constant dense<0.000000e+00> : vector<1xf32>
    %reduce_sum3A_109 = vector.multi_reduction <add>, %reduce_sum3A_107, %reduce_sum3A_108 [1, 2] : vector<1x64x576xf32> to vector<1xf32>
    %reduce_sum3A_110 = vector.shape_cast %reduce_sum3A_109 : vector<1xf32> to vector<1x1x1xf32>
    %reduce_sum3A_111 = vector.extract %reduce_sum3A_110[0, 0, 0] : f32 from vector<1x1x1xf32>
    %broadcast_in_dim3A_112 = vector.broadcast %reduce_sum3A_111 : f32 to vector<1x1xf32>
    %eq3A_113 = arith.constant 4 : i32
    %eq3A_114 = vector.broadcast %eq3A_113 : i32 to vector<64x576xi32>
    %eq3A_115 = arith.cmpi eq, %get3A_68, %eq3A_114 : vector<64x576xi32>
    %convert_element_type3A_116 = arith.extui %eq3A_115 : vector<64x576xi1> to vector<64x576xi32>
    %convert_element_type3A_117 = arith.sitofp %convert_element_type3A_116 : vector<64x576xi32> to vector<64x576xf32>
    %reduce_sum3A_118 = vector.shape_cast %convert_element_type3A_117 : vector<64x576xf32> to vector<1x64x576xf32>
    %reduce_sum3A_119 = arith.constant dense<0.000000e+00> : vector<1xf32>
    %reduce_sum3A_120 = vector.multi_reduction <add>, %reduce_sum3A_118, %reduce_sum3A_119 [1, 2] : vector<1x64x576xf32> to vector<1xf32>
    %reduce_sum3A_121 = vector.shape_cast %reduce_sum3A_120 : vector<1xf32> to vector<1x1x1xf32>
    %reduce_sum3A_122 = vector.extract %reduce_sum3A_121[0, 0, 0] : f32 from vector<1x1x1xf32>
    %broadcast_in_dim3A_123 = vector.broadcast %reduce_sum3A_122 : f32 to vector<1x1xf32>
    %eq3A_124 = arith.constant 5 : i32
    %eq3A_125 = vector.broadcast %eq3A_124 : i32 to vector<64x576xi32>
    %eq3A_126 = arith.cmpi eq, %get3A_68, %eq3A_125 : vector<64x576xi32>
    %convert_element_type3A_127 = arith.extui %eq3A_126 : vector<64x576xi1> to vector<64x576xi32>
    %convert_element_type3A_128 = arith.sitofp %convert_element_type3A_127 : vector<64x576xi32> to vector<64x576xf32>
    %reduce_sum3A_129 = vector.shape_cast %convert_element_type3A_128 : vector<64x576xf32> to vector<1x64x576xf32>
    %reduce_sum3A_130 = arith.constant dense<0.000000e+00> : vector<1xf32>
    %reduce_sum3A_131 = vector.multi_reduction <add>, %reduce_sum3A_129, %reduce_sum3A_130 [1, 2] : vector<1x64x576xf32> to vector<1xf32>
    %reduce_sum3A_132 = vector.shape_cast %reduce_sum3A_131 : vector<1xf32> to vector<1x1x1xf32>
    %reduce_sum3A_133 = vector.extract %reduce_sum3A_132[0, 0, 0] : f32 from vector<1x1x1xf32>
    %broadcast_in_dim3A_134 = vector.broadcast %reduce_sum3A_133 : f32 to vector<1x1xf32>
    %eq3A_135 = arith.constant 6 : i32
    %eq3A_136 = vector.broadcast %eq3A_135 : i32 to vector<64x576xi32>
    %eq3A_137 = arith.cmpi eq, %get3A_68, %eq3A_136 : vector<64x576xi32>
    %convert_element_type3A_138 = arith.extui %eq3A_137 : vector<64x576xi1> to vector<64x576xi32>
    %convert_element_type3A_139 = arith.sitofp %convert_element_type3A_138 : vector<64x576xi32> to vector<64x576xf32>
    %reduce_sum3A_140 = vector.shape_cast %convert_element_type3A_139 : vector<64x576xf32> to vector<1x64x576xf32>
    %reduce_sum3A_141 = arith.constant dense<0.000000e+00> : vector<1xf32>
    %reduce_sum3A_142 = vector.multi_reduction <add>, %reduce_sum3A_140, %reduce_sum3A_141 [1, 2] : vector<1x64x576xf32> to vector<1xf32>
    %reduce_sum3A_143 = vector.shape_cast %reduce_sum3A_142 : vector<1xf32> to vector<1x1x1xf32>
    %reduce_sum3A_144 = vector.extract %reduce_sum3A_143[0, 0, 0] : f32 from vector<1x1x1xf32>
    %broadcast_in_dim3A_145 = vector.broadcast %reduce_sum3A_144 : f32 to vector<1x1xf32>
    %eq3A_146 = arith.constant 7 : i32
    %eq3A_147 = vector.broadcast %eq3A_146 : i32 to vector<64x576xi32>
    %eq3A_148 = arith.cmpi eq, %get3A_68, %eq3A_147 : vector<64x576xi32>
    %convert_element_type3A_149 = arith.extui %eq3A_148 : vector<64x576xi1> to vector<64x576xi32>
    %convert_element_type3A_150 = arith.sitofp %convert_element_type3A_149 : vector<64x576xi32> to vector<64x576xf32>
    %reduce_sum3A_151 = vector.shape_cast %convert_element_type3A_150 : vector<64x576xf32> to vector<1x64x576xf32>
    %reduce_sum3A_152 = arith.constant dense<0.000000e+00> : vector<1xf32>
    %reduce_sum3A_153 = vector.multi_reduction <add>, %reduce_sum3A_151, %reduce_sum3A_152 [1, 2] : vector<1x64x576xf32> to vector<1xf32>
    %reduce_sum3A_154 = vector.shape_cast %reduce_sum3A_153 : vector<1xf32> to vector<1x1x1xf32>
    %reduce_sum3A_155 = vector.extract %reduce_sum3A_154[0, 0, 0] : f32 from vector<1x1x1xf32>
    %broadcast_in_dim3A_156 = vector.broadcast %reduce_sum3A_155 : f32 to vector<1x1xf32>
    %eq3A_157 = arith.constant 8 : i32
    %eq3A_158 = vector.broadcast %eq3A_157 : i32 to vector<64x576xi32>
    %eq3A_159 = arith.cmpi eq, %get3A_68, %eq3A_158 : vector<64x576xi32>
    %convert_element_type3A_160 = arith.extui %eq3A_159 : vector<64x576xi1> to vector<64x576xi32>
    %convert_element_type3A_161 = arith.sitofp %convert_element_type3A_160 : vector<64x576xi32> to vector<64x576xf32>
    %reduce_sum3A_162 = vector.shape_cast %convert_element_type3A_161 : vector<64x576xf32> to vector<1x64x576xf32>
    %reduce_sum3A_163 = arith.constant dense<0.000000e+00> : vector<1xf32>
    %reduce_sum3A_164 = vector.multi_reduction <add>, %reduce_sum3A_162, %reduce_sum3A_163 [1, 2] : vector<1x64x576xf32> to vector<1xf32>
    %reduce_sum3A_165 = vector.shape_cast %reduce_sum3A_164 : vector<1xf32> to vector<1x1x1xf32>
    %reduce_sum3A_166 = vector.extract %reduce_sum3A_165[0, 0, 0] : f32 from vector<1x1x1xf32>
    %broadcast_in_dim3A_167 = vector.broadcast %reduce_sum3A_166 : f32 to vector<1x1xf32>
    %eq3A_168 = arith.constant 9 : i32
    %eq3A_169 = vector.broadcast %eq3A_168 : i32 to vector<64x576xi32>
    %eq3A_170 = arith.cmpi eq, %get3A_68, %eq3A_169 : vector<64x576xi32>
    %convert_element_type3A_171 = arith.extui %eq3A_170 : vector<64x576xi1> to vector<64x576xi32>
    %convert_element_type3A_172 = arith.sitofp %convert_element_type3A_171 : vector<64x576xi32> to vector<64x576xf32>
    %reduce_sum3A_173 = vector.shape_cast %convert_element_type3A_172 : vector<64x576xf32> to vector<1x64x576xf32>
    %reduce_sum3A_174 = arith.constant dense<0.000000e+00> : vector<1xf32>
    %reduce_sum3A_175 = vector.multi_reduction <add>, %reduce_sum3A_173, %reduce_sum3A_174 [1, 2] : vector<1x64x576xf32> to vector<1xf32>
    %reduce_sum3A_176 = vector.shape_cast %reduce_sum3A_175 : vector<1xf32> to vector<1x1x1xf32>
    %reduce_sum3A_177 = vector.extract %reduce_sum3A_176[0, 0, 0] : f32 from vector<1x1x1xf32>
    %broadcast_in_dim3A_178 = vector.broadcast %reduce_sum3A_177 : f32 to vector<1x1xf32>
    %eq3A_179 = arith.constant 10 : i32
    %eq3A_180 = vector.broadcast %eq3A_179 : i32 to vector<64x576xi32>
    %eq3A_181 = arith.cmpi eq, %get3A_68, %eq3A_180 : vector<64x576xi32>
    %convert_element_type3A_182 = arith.extui %eq3A_181 : vector<64x576xi1> to vector<64x576xi32>
    %convert_element_type3A_183 = arith.sitofp %convert_element_type3A_182 : vector<64x576xi32> to vector<64x576xf32>
    %reduce_sum3A_184 = vector.shape_cast %convert_element_type3A_183 : vector<64x576xf32> to vector<1x64x576xf32>
    %reduce_sum3A_185 = arith.constant dense<0.000000e+00> : vector<1xf32>
    %reduce_sum3A_186 = vector.multi_reduction <add>, %reduce_sum3A_184, %reduce_sum3A_185 [1, 2] : vector<1x64x576xf32> to vector<1xf32>
    %reduce_sum3A_187 = vector.shape_cast %reduce_sum3A_186 : vector<1xf32> to vector<1x1x1xf32>
    %reduce_sum3A_188 = vector.extract %reduce_sum3A_187[0, 0, 0] : f32 from vector<1x1x1xf32>
    %broadcast_in_dim3A_189 = vector.broadcast %reduce_sum3A_188 : f32 to vector<1x1xf32>
    %eq3A_190 = arith.constant 11 : i32
    %eq3A_191 = vector.broadcast %eq3A_190 : i32 to vector<64x576xi32>
    %eq3A_192 = arith.cmpi eq, %get3A_68, %eq3A_191 : vector<64x576xi32>
    %convert_element_type3A_193 = arith.extui %eq3A_192 : vector<64x576xi1> to vector<64x576xi32>
    %convert_element_type3A_194 = arith.sitofp %convert_element_type3A_193 : vector<64x576xi32> to vector<64x576xf32>
    %reduce_sum3A_195 = vector.shape_cast %convert_element_type3A_194 : vector<64x576xf32> to vector<1x64x576xf32>
    %reduce_sum3A_196 = arith.constant dense<0.000000e+00> : vector<1xf32>
    %reduce_sum3A_197 = vector.multi_reduction <add>, %reduce_sum3A_195, %reduce_sum3A_196 [1, 2] : vector<1x64x576xf32> to vector<1xf32>
    %reduce_sum3A_198 = vector.shape_cast %reduce_sum3A_197 : vector<1xf32> to vector<1x1x1xf32>
    %reduce_sum3A_199 = vector.extract %reduce_sum3A_198[0, 0, 0] : f32 from vector<1x1x1xf32>
    %broadcast_in_dim3A_200 = vector.broadcast %reduce_sum3A_199 : f32 to vector<1x1xf32>
    %eq3A_201 = arith.constant 12 : i32
    %eq3A_202 = vector.broadcast %eq3A_201 : i32 to vector<64x576xi32>
    %eq3A_203 = arith.cmpi eq, %get3A_68, %eq3A_202 : vector<64x576xi32>
    %convert_element_type3A_204 = arith.extui %eq3A_203 : vector<64x576xi1> to vector<64x576xi32>
    %convert_element_type3A_205 = arith.sitofp %convert_element_type3A_204 : vector<64x576xi32> to vector<64x576xf32>
    %reduce_sum3A_206 = vector.shape_cast %convert_element_type3A_205 : vector<64x576xf32> to vector<1x64x576xf32>
    %reduce_sum3A_207 = arith.constant dense<0.000000e+00> : vector<1xf32>
    %reduce_sum3A_208 = vector.multi_reduction <add>, %reduce_sum3A_206, %reduce_sum3A_207 [1, 2] : vector<1x64x576xf32> to vector<1xf32>
    %reduce_sum3A_209 = vector.shape_cast %reduce_sum3A_208 : vector<1xf32> to vector<1x1x1xf32>
    %reduce_sum3A_210 = vector.extract %reduce_sum3A_209[0, 0, 0] : f32 from vector<1x1x1xf32>
    %broadcast_in_dim3A_211 = vector.broadcast %reduce_sum3A_210 : f32 to vector<1x1xf32>
    %eq3A_212 = arith.constant 13 : i32
    %eq3A_213 = vector.broadcast %eq3A_212 : i32 to vector<64x576xi32>
    %eq3A_214 = arith.cmpi eq, %get3A_68, %eq3A_213 : vector<64x576xi32>
    %convert_element_type3A_215 = arith.extui %eq3A_214 : vector<64x576xi1> to vector<64x576xi32>
    %convert_element_type3A_216 = arith.sitofp %convert_element_type3A_215 : vector<64x576xi32> to vector<64x576xf32>
    %reduce_sum3A_217 = vector.shape_cast %convert_element_type3A_216 : vector<64x576xf32> to vector<1x64x576xf32>
    %reduce_sum3A_218 = arith.constant dense<0.000000e+00> : vector<1xf32>
    %reduce_sum3A_219 = vector.multi_reduction <add>, %reduce_sum3A_217, %reduce_sum3A_218 [1, 2] : vector<1x64x576xf32> to vector<1xf32>
    %reduce_sum3A_220 = vector.shape_cast %reduce_sum3A_219 : vector<1xf32> to vector<1x1x1xf32>
    %reduce_sum3A_221 = vector.extract %reduce_sum3A_220[0, 0, 0] : f32 from vector<1x1x1xf32>
    %broadcast_in_dim3A_222 = vector.broadcast %reduce_sum3A_221 : f32 to vector<1x1xf32>
    %eq3A_223 = arith.constant 14 : i32
    %eq3A_224 = vector.broadcast %eq3A_223 : i32 to vector<64x576xi32>
    %eq3A_225 = arith.cmpi eq, %get3A_68, %eq3A_224 : vector<64x576xi32>
    %convert_element_type3A_226 = arith.extui %eq3A_225 : vector<64x576xi1> to vector<64x576xi32>
    %convert_element_type3A_227 = arith.sitofp %convert_element_type3A_226 : vector<64x576xi32> to vector<64x576xf32>
    %reduce_sum3A_228 = vector.shape_cast %convert_element_type3A_227 : vector<64x576xf32> to vector<1x64x576xf32>
    %reduce_sum3A_229 = arith.constant dense<0.000000e+00> : vector<1xf32>
    %reduce_sum3A_230 = vector.multi_reduction <add>, %reduce_sum3A_228, %reduce_sum3A_229 [1, 2] : vector<1x64x576xf32> to vector<1xf32>
    %reduce_sum3A_231 = vector.shape_cast %reduce_sum3A_230 : vector<1xf32> to vector<1x1x1xf32>
    %reduce_sum3A_232 = vector.extract %reduce_sum3A_231[0, 0, 0] : f32 from vector<1x1x1xf32>
    %broadcast_in_dim3A_233 = vector.broadcast %reduce_sum3A_232 : f32 to vector<1x1xf32>
    %eq3A_234 = arith.constant 15 : i32
    %eq3A_235 = vector.broadcast %eq3A_234 : i32 to vector<64x576xi32>
    %eq3A_236 = arith.cmpi eq, %get3A_68, %eq3A_235 : vector<64x576xi32>
    %convert_element_type3A_237 = arith.extui %eq3A_236 : vector<64x576xi1> to vector<64x576xi32>
    %convert_element_type3A_238 = arith.sitofp %convert_element_type3A_237 : vector<64x576xi32> to vector<64x576xf32>
    %reduce_sum3A_239 = vector.shape_cast %convert_element_type3A_238 : vector<64x576xf32> to vector<1x64x576xf32>
    %reduce_sum3A_240 = arith.constant dense<0.000000e+00> : vector<1xf32>
    %reduce_sum3A_241 = vector.multi_reduction <add>, %reduce_sum3A_239, %reduce_sum3A_240 [1, 2] : vector<1x64x576xf32> to vector<1xf32>
    %reduce_sum3A_242 = vector.shape_cast %reduce_sum3A_241 : vector<1xf32> to vector<1x1x1xf32>
    %reduce_sum3A_243 = vector.extract %reduce_sum3A_242[0, 0, 0] : f32 from vector<1x1x1xf32>
    %broadcast_in_dim3A_244 = vector.broadcast %reduce_sum3A_243 : f32 to vector<1x1xf32>
    %eq3A_245 = arith.constant 16 : i32
    %eq3A_246 = vector.broadcast %eq3A_245 : i32 to vector<64x576xi32>
    %eq3A_247 = arith.cmpi eq, %get3A_68, %eq3A_246 : vector<64x576xi32>
    %convert_element_type3A_248 = arith.extui %eq3A_247 : vector<64x576xi1> to vector<64x576xi32>
    %convert_element_type3A_249 = arith.sitofp %convert_element_type3A_248 : vector<64x576xi32> to vector<64x576xf32>
    %reduce_sum3A_250 = vector.shape_cast %convert_element_type3A_249 : vector<64x576xf32> to vector<1x64x576xf32>
    %reduce_sum3A_251 = arith.constant dense<0.000000e+00> : vector<1xf32>
    %reduce_sum3A_252 = vector.multi_reduction <add>, %reduce_sum3A_250, %reduce_sum3A_251 [1, 2] : vector<1x64x576xf32> to vector<1xf32>
    %reduce_sum3A_253 = vector.shape_cast %reduce_sum3A_252 : vector<1xf32> to vector<1x1x1xf32>
    %reduce_sum3A_254 = vector.extract %reduce_sum3A_253[0, 0, 0] : f32 from vector<1x1x1xf32>
    %broadcast_in_dim3A_255 = vector.broadcast %reduce_sum3A_254 : f32 to vector<1x1xf32>
    %eq3A_256 = arith.constant 17 : i32
    %eq3A_257 = vector.broadcast %eq3A_256 : i32 to vector<64x576xi32>
    %eq3A_258 = arith.cmpi eq, %get3A_68, %eq3A_257 : vector<64x576xi32>
    %convert_element_type3A_259 = arith.extui %eq3A_258 : vector<64x576xi1> to vector<64x576xi32>
    %convert_element_type3A_260 = arith.sitofp %convert_element_type3A_259 : vector<64x576xi32> to vector<64x576xf32>
    %reduce_sum3A_261 = vector.shape_cast %convert_element_type3A_260 : vector<64x576xf32> to vector<1x64x576xf32>
    %reduce_sum3A_262 = arith.constant dense<0.000000e+00> : vector<1xf32>
    %reduce_sum3A_263 = vector.multi_reduction <add>, %reduce_sum3A_261, %reduce_sum3A_262 [1, 2] : vector<1x64x576xf32> to vector<1xf32>
    %reduce_sum3A_264 = vector.shape_cast %reduce_sum3A_263 : vector<1xf32> to vector<1x1x1xf32>
    %reduce_sum3A_265 = vector.extract %reduce_sum3A_264[0, 0, 0] : f32 from vector<1x1x1xf32>
    %broadcast_in_dim3A_266 = vector.broadcast %reduce_sum3A_265 : f32 to vector<1x1xf32>
    %eq3A_267 = arith.constant 18 : i32
    %eq3A_268 = vector.broadcast %eq3A_267 : i32 to vector<64x576xi32>
    %eq3A_269 = arith.cmpi eq, %get3A_68, %eq3A_268 : vector<64x576xi32>
    %convert_element_type3A_270 = arith.extui %eq3A_269 : vector<64x576xi1> to vector<64x576xi32>
    %convert_element_type3A_271 = arith.sitofp %convert_element_type3A_270 : vector<64x576xi32> to vector<64x576xf32>
    %reduce_sum3A_272 = vector.shape_cast %convert_element_type3A_271 : vector<64x576xf32> to vector<1x64x576xf32>
    %reduce_sum3A_273 = arith.constant dense<0.000000e+00> : vector<1xf32>
    %reduce_sum3A_274 = vector.multi_reduction <add>, %reduce_sum3A_272, %reduce_sum3A_273 [1, 2] : vector<1x64x576xf32> to vector<1xf32>
    %reduce_sum3A_275 = vector.shape_cast %reduce_sum3A_274 : vector<1xf32> to vector<1x1x1xf32>
    %reduce_sum3A_276 = vector.extract %reduce_sum3A_275[0, 0, 0] : f32 from vector<1x1x1xf32>
    %broadcast_in_dim3A_277 = vector.broadcast %reduce_sum3A_276 : f32 to vector<1x1xf32>
    %eq3A_278 = arith.constant 19 : i32
    %eq3A_279 = vector.broadcast %eq3A_278 : i32 to vector<64x576xi32>
    %eq3A_280 = arith.cmpi eq, %get3A_68, %eq3A_279 : vector<64x576xi32>
    %convert_element_type3A_281 = arith.extui %eq3A_280 : vector<64x576xi1> to vector<64x576xi32>
    %convert_element_type3A_282 = arith.sitofp %convert_element_type3A_281 : vector<64x576xi32> to vector<64x576xf32>
    %reduce_sum3A_283 = vector.shape_cast %convert_element_type3A_282 : vector<64x576xf32> to vector<1x64x576xf32>
    %reduce_sum3A_284 = arith.constant dense<0.000000e+00> : vector<1xf32>
    %reduce_sum3A_285 = vector.multi_reduction <add>, %reduce_sum3A_283, %reduce_sum3A_284 [1, 2] : vector<1x64x576xf32> to vector<1xf32>
    %reduce_sum3A_286 = vector.shape_cast %reduce_sum3A_285 : vector<1xf32> to vector<1x1x1xf32>
    %reduce_sum3A_287 = vector.extract %reduce_sum3A_286[0, 0, 0] : f32 from vector<1x1x1xf32>
    %broadcast_in_dim3A_288 = vector.broadcast %reduce_sum3A_287 : f32 to vector<1x1xf32>
    %eq3A_289 = arith.constant 20 : i32
    %eq3A_290 = vector.broadcast %eq3A_289 : i32 to vector<64x576xi32>
    %eq3A_291 = arith.cmpi eq, %get3A_68, %eq3A_290 : vector<64x576xi32>
    %convert_element_type3A_292 = arith.extui %eq3A_291 : vector<64x576xi1> to vector<64x576xi32>
    %convert_element_type3A_293 = arith.sitofp %convert_element_type3A_292 : vector<64x576xi32> to vector<64x576xf32>
    %reduce_sum3A_294 = vector.shape_cast %convert_element_type3A_293 : vector<64x576xf32> to vector<1x64x576xf32>
    %reduce_sum3A_295 = arith.constant dense<0.000000e+00> : vector<1xf32>
    %reduce_sum3A_296 = vector.multi_reduction <add>, %reduce_sum3A_294, %reduce_sum3A_295 [1, 2] : vector<1x64x576xf32> to vector<1xf32>
    %reduce_sum3A_297 = vector.shape_cast %reduce_sum3A_296 : vector<1xf32> to vector<1x1x1xf32>
    %reduce_sum3A_298 = vector.extract %reduce_sum3A_297[0, 0, 0] : f32 from vector<1x1x1xf32>
    %broadcast_in_dim3A_299 = vector.broadcast %reduce_sum3A_298 : f32 to vector<1x1xf32>
    %eq3A_300 = arith.constant 21 : i32
    %eq3A_301 = vector.broadcast %eq3A_300 : i32 to vector<64x576xi32>
    %eq3A_302 = arith.cmpi eq, %get3A_68, %eq3A_301 : vector<64x576xi32>
    %convert_element_type3A_303 = arith.extui %eq3A_302 : vector<64x576xi1> to vector<64x576xi32>
    %convert_element_type3A_304 = arith.sitofp %convert_element_type3A_303 : vector<64x576xi32> to vector<64x576xf32>
    %reduce_sum3A_305 = vector.shape_cast %convert_element_type3A_304 : vector<64x576xf32> to vector<1x64x576xf32>
    %reduce_sum3A_306 = arith.constant dense<0.000000e+00> : vector<1xf32>
    %reduce_sum3A_307 = vector.multi_reduction <add>, %reduce_sum3A_305, %reduce_sum3A_306 [1, 2] : vector<1x64x576xf32> to vector<1xf32>
    %reduce_sum3A_308 = vector.shape_cast %reduce_sum3A_307 : vector<1xf32> to vector<1x1x1xf32>
    %reduce_sum3A_309 = vector.extract %reduce_sum3A_308[0, 0, 0] : f32 from vector<1x1x1xf32>
    %broadcast_in_dim3A_310 = vector.broadcast %reduce_sum3A_309 : f32 to vector<1x1xf32>
    %eq3A_311 = arith.constant 22 : i32
    %eq3A_312 = vector.broadcast %eq3A_311 : i32 to vector<64x576xi32>
    %eq3A_313 = arith.cmpi eq, %get3A_68, %eq3A_312 : vector<64x576xi32>
    %convert_element_type3A_314 = arith.extui %eq3A_313 : vector<64x576xi1> to vector<64x576xi32>
    %convert_element_type3A_315 = arith.sitofp %convert_element_type3A_314 : vector<64x576xi32> to vector<64x576xf32>
    %reduce_sum3A_316 = vector.shape_cast %convert_element_type3A_315 : vector<64x576xf32> to vector<1x64x576xf32>
    %reduce_sum3A_317 = arith.constant dense<0.000000e+00> : vector<1xf32>
    %reduce_sum3A_318 = vector.multi_reduction <add>, %reduce_sum3A_316, %reduce_sum3A_317 [1, 2] : vector<1x64x576xf32> to vector<1xf32>
    %reduce_sum3A_319 = vector.shape_cast %reduce_sum3A_318 : vector<1xf32> to vector<1x1x1xf32>
    %reduce_sum3A_320 = vector.extract %reduce_sum3A_319[0, 0, 0] : f32 from vector<1x1x1xf32>
    %broadcast_in_dim3A_321 = vector.broadcast %reduce_sum3A_320 : f32 to vector<1x1xf32>
    %eq3A_322 = arith.constant 23 : i32
    %eq3A_323 = vector.broadcast %eq3A_322 : i32 to vector<64x576xi32>
    %eq3A_324 = arith.cmpi eq, %get3A_68, %eq3A_323 : vector<64x576xi32>
    %convert_element_type3A_325 = arith.extui %eq3A_324 : vector<64x576xi1> to vector<64x576xi32>
    %convert_element_type3A_326 = arith.sitofp %convert_element_type3A_325 : vector<64x576xi32> to vector<64x576xf32>
    %reduce_sum3A_327 = vector.shape_cast %convert_element_type3A_326 : vector<64x576xf32> to vector<1x64x576xf32>
    %reduce_sum3A_328 = arith.constant dense<0.000000e+00> : vector<1xf32>
    %reduce_sum3A_329 = vector.multi_reduction <add>, %reduce_sum3A_327, %reduce_sum3A_328 [1, 2] : vector<1x64x576xf32> to vector<1xf32>
    %reduce_sum3A_330 = vector.shape_cast %reduce_sum3A_329 : vector<1xf32> to vector<1x1x1xf32>
    %reduce_sum3A_331 = vector.extract %reduce_sum3A_330[0, 0, 0] : f32 from vector<1x1x1xf32>
    %broadcast_in_dim3A_332 = vector.broadcast %reduce_sum3A_331 : f32 to vector<1x1xf32>
    %eq3A_333 = arith.constant 24 : i32
    %eq3A_334 = vector.broadcast %eq3A_333 : i32 to vector<64x576xi32>
    %eq3A_335 = arith.cmpi eq, %get3A_68, %eq3A_334 : vector<64x576xi32>
    %convert_element_type3A_336 = arith.extui %eq3A_335 : vector<64x576xi1> to vector<64x576xi32>
    %convert_element_type3A_337 = arith.sitofp %convert_element_type3A_336 : vector<64x576xi32> to vector<64x576xf32>
    %reduce_sum3A_338 = vector.shape_cast %convert_element_type3A_337 : vector<64x576xf32> to vector<1x64x576xf32>
    %reduce_sum3A_339 = arith.constant dense<0.000000e+00> : vector<1xf32>
    %reduce_sum3A_340 = vector.multi_reduction <add>, %reduce_sum3A_338, %reduce_sum3A_339 [1, 2] : vector<1x64x576xf32> to vector<1xf32>
    %reduce_sum3A_341 = vector.shape_cast %reduce_sum3A_340 : vector<1xf32> to vector<1x1x1xf32>
    %reduce_sum3A_342 = vector.extract %reduce_sum3A_341[0, 0, 0] : f32 from vector<1x1x1xf32>
    %broadcast_in_dim3A_343 = vector.broadcast %reduce_sum3A_342 : f32 to vector<1x1xf32>
    %eq3A_344 = arith.constant 25 : i32
    %eq3A_345 = vector.broadcast %eq3A_344 : i32 to vector<64x576xi32>
    %eq3A_346 = arith.cmpi eq, %get3A_68, %eq3A_345 : vector<64x576xi32>
    %convert_element_type3A_347 = arith.extui %eq3A_346 : vector<64x576xi1> to vector<64x576xi32>
    %convert_element_type3A_348 = arith.sitofp %convert_element_type3A_347 : vector<64x576xi32> to vector<64x576xf32>
    %reduce_sum3A_349 = vector.shape_cast %convert_element_type3A_348 : vector<64x576xf32> to vector<1x64x576xf32>
    %reduce_sum3A_350 = arith.constant dense<0.000000e+00> : vector<1xf32>
    %reduce_sum3A_351 = vector.multi_reduction <add>, %reduce_sum3A_349, %reduce_sum3A_350 [1, 2] : vector<1x64x576xf32> to vector<1xf32>
    %reduce_sum3A_352 = vector.shape_cast %reduce_sum3A_351 : vector<1xf32> to vector<1x1x1xf32>
    %reduce_sum3A_353 = vector.extract %reduce_sum3A_352[0, 0, 0] : f32 from vector<1x1x1xf32>
    %broadcast_in_dim3A_354 = vector.broadcast %reduce_sum3A_353 : f32 to vector<1x1xf32>
    %eq3A_355 = arith.constant 26 : i32
    %eq3A_356 = vector.broadcast %eq3A_355 : i32 to vector<64x576xi32>
    %eq3A_357 = arith.cmpi eq, %get3A_68, %eq3A_356 : vector<64x576xi32>
    %convert_element_type3A_358 = arith.extui %eq3A_357 : vector<64x576xi1> to vector<64x576xi32>
    %convert_element_type3A_359 = arith.sitofp %convert_element_type3A_358 : vector<64x576xi32> to vector<64x576xf32>
    %reduce_sum3A_360 = vector.shape_cast %convert_element_type3A_359 : vector<64x576xf32> to vector<1x64x576xf32>
    %reduce_sum3A_361 = arith.constant dense<0.000000e+00> : vector<1xf32>
    %reduce_sum3A_362 = vector.multi_reduction <add>, %reduce_sum3A_360, %reduce_sum3A_361 [1, 2] : vector<1x64x576xf32> to vector<1xf32>
    %reduce_sum3A_363 = vector.shape_cast %reduce_sum3A_362 : vector<1xf32> to vector<1x1x1xf32>
    %reduce_sum3A_364 = vector.extract %reduce_sum3A_363[0, 0, 0] : f32 from vector<1x1x1xf32>
    %broadcast_in_dim3A_365 = vector.broadcast %reduce_sum3A_364 : f32 to vector<1x1xf32>
    %eq3A_366 = arith.constant 27 : i32
    %eq3A_367 = vector.broadcast %eq3A_366 : i32 to vector<64x576xi32>
    %eq3A_368 = arith.cmpi eq, %get3A_68, %eq3A_367 : vector<64x576xi32>
    %convert_element_type3A_369 = arith.extui %eq3A_368 : vector<64x576xi1> to vector<64x576xi32>
    %convert_element_type3A_370 = arith.sitofp %convert_element_type3A_369 : vector<64x576xi32> to vector<64x576xf32>
    %reduce_sum3A_371 = vector.shape_cast %convert_element_type3A_370 : vector<64x576xf32> to vector<1x64x576xf32>
    %reduce_sum3A_372 = arith.constant dense<0.000000e+00> : vector<1xf32>
    %reduce_sum3A_373 = vector.multi_reduction <add>, %reduce_sum3A_371, %reduce_sum3A_372 [1, 2] : vector<1x64x576xf32> to vector<1xf32>
    %reduce_sum3A_374 = vector.shape_cast %reduce_sum3A_373 : vector<1xf32> to vector<1x1x1xf32>
    %reduce_sum3A_375 = vector.extract %reduce_sum3A_374[0, 0, 0] : f32 from vector<1x1x1xf32>
    %broadcast_in_dim3A_376 = vector.broadcast %reduce_sum3A_375 : f32 to vector<1x1xf32>
    %eq3A_377 = arith.constant 28 : i32
    %eq3A_378 = vector.broadcast %eq3A_377 : i32 to vector<64x576xi32>
    %eq3A_379 = arith.cmpi eq, %get3A_68, %eq3A_378 : vector<64x576xi32>
    %convert_element_type3A_380 = arith.extui %eq3A_379 : vector<64x576xi1> to vector<64x576xi32>
    %convert_element_type3A_381 = arith.sitofp %convert_element_type3A_380 : vector<64x576xi32> to vector<64x576xf32>
    %reduce_sum3A_382 = vector.shape_cast %convert_element_type3A_381 : vector<64x576xf32> to vector<1x64x576xf32>
    %reduce_sum3A_383 = arith.constant dense<0.000000e+00> : vector<1xf32>
    %reduce_sum3A_384 = vector.multi_reduction <add>, %reduce_sum3A_382, %reduce_sum3A_383 [1, 2] : vector<1x64x576xf32> to vector<1xf32>
    %reduce_sum3A_385 = vector.shape_cast %reduce_sum3A_384 : vector<1xf32> to vector<1x1x1xf32>
    %reduce_sum3A_386 = vector.extract %reduce_sum3A_385[0, 0, 0] : f32 from vector<1x1x1xf32>
    %broadcast_in_dim3A_387 = vector.broadcast %reduce_sum3A_386 : f32 to vector<1x1xf32>
    %eq3A_388 = arith.constant 29 : i32
    %eq3A_389 = vector.broadcast %eq3A_388 : i32 to vector<64x576xi32>
    %eq3A_390 = arith.cmpi eq, %get3A_68, %eq3A_389 : vector<64x576xi32>
    %convert_element_type3A_391 = arith.extui %eq3A_390 : vector<64x576xi1> to vector<64x576xi32>
    %convert_element_type3A_392 = arith.sitofp %convert_element_type3A_391 : vector<64x576xi32> to vector<64x576xf32>
    %reduce_sum3A_393 = vector.shape_cast %convert_element_type3A_392 : vector<64x576xf32> to vector<1x64x576xf32>
    %reduce_sum3A_394 = arith.constant dense<0.000000e+00> : vector<1xf32>
    %reduce_sum3A_395 = vector.multi_reduction <add>, %reduce_sum3A_393, %reduce_sum3A_394 [1, 2] : vector<1x64x576xf32> to vector<1xf32>
    %reduce_sum3A_396 = vector.shape_cast %reduce_sum3A_395 : vector<1xf32> to vector<1x1x1xf32>
    %reduce_sum3A_397 = vector.extract %reduce_sum3A_396[0, 0, 0] : f32 from vector<1x1x1xf32>
    %broadcast_in_dim3A_398 = vector.broadcast %reduce_sum3A_397 : f32 to vector<1x1xf32>
    %eq3A_399 = arith.constant 30 : i32
    %eq3A_400 = vector.broadcast %eq3A_399 : i32 to vector<64x576xi32>
    %eq3A_401 = arith.cmpi eq, %get3A_68, %eq3A_400 : vector<64x576xi32>
    %convert_element_type3A_402 = arith.extui %eq3A_401 : vector<64x576xi1> to vector<64x576xi32>
    %convert_element_type3A_403 = arith.sitofp %convert_element_type3A_402 : vector<64x576xi32> to vector<64x576xf32>
    %reduce_sum3A_404 = vector.shape_cast %convert_element_type3A_403 : vector<64x576xf32> to vector<1x64x576xf32>
    %reduce_sum3A_405 = arith.constant dense<0.000000e+00> : vector<1xf32>
    %reduce_sum3A_406 = vector.multi_reduction <add>, %reduce_sum3A_404, %reduce_sum3A_405 [1, 2] : vector<1x64x576xf32> to vector<1xf32>
    %reduce_sum3A_407 = vector.shape_cast %reduce_sum3A_406 : vector<1xf32> to vector<1x1x1xf32>
    %reduce_sum3A_408 = vector.extract %reduce_sum3A_407[0, 0, 0] : f32 from vector<1x1x1xf32>
    %broadcast_in_dim3A_409 = vector.broadcast %reduce_sum3A_408 : f32 to vector<1x1xf32>
    %eq3A_410 = arith.constant 31 : i32
    %eq3A_411 = vector.broadcast %eq3A_410 : i32 to vector<64x576xi32>
    %eq3A_412 = arith.cmpi eq, %get3A_68, %eq3A_411 : vector<64x576xi32>
    %convert_element_type3A_413 = arith.extui %eq3A_412 : vector<64x576xi1> to vector<64x576xi32>
    %convert_element_type3A_414 = arith.sitofp %convert_element_type3A_413 : vector<64x576xi32> to vector<64x576xf32>
    %reduce_sum3A_415 = vector.shape_cast %convert_element_type3A_414 : vector<64x576xf32> to vector<1x64x576xf32>
    %reduce_sum3A_416 = arith.constant dense<0.000000e+00> : vector<1xf32>
    %reduce_sum3A_417 = vector.multi_reduction <add>, %reduce_sum3A_415, %reduce_sum3A_416 [1, 2] : vector<1x64x576xf32> to vector<1xf32>
    %reduce_sum3A_418 = vector.shape_cast %reduce_sum3A_417 : vector<1xf32> to vector<1x1x1xf32>
    %reduce_sum3A_419 = vector.extract %reduce_sum3A_418[0, 0, 0] : f32 from vector<1x1x1xf32>
    %broadcast_in_dim3A_420 = vector.broadcast %reduce_sum3A_419 : f32 to vector<1x1xf32>
    %concatenate3A = tpu.concatenate %broadcast_in_dim3A_79, %broadcast_in_dim3A_90, %broadcast_in_dim3A_101, %broadcast_in_dim3A_112, %broadcast_in_dim3A_123, %broadcast_in_dim3A_134, %broadcast_in_dim3A_145, %broadcast_in_dim3A_156, %broadcast_in_dim3A_167, %broadcast_in_dim3A_178, %broadcast_in_dim3A_189, %broadcast_in_dim3A_200, %broadcast_in_dim3A_211, %broadcast_in_dim3A_222, %broadcast_in_dim3A_233, %broadcast_in_dim3A_244, %broadcast_in_dim3A_255, %broadcast_in_dim3A_266, %broadcast_in_dim3A_277, %broadcast_in_dim3A_288, %broadcast_in_dim3A_299, %broadcast_in_dim3A_310, %broadcast_in_dim3A_321, %broadcast_in_dim3A_332, %broadcast_in_dim3A_343, %broadcast_in_dim3A_354, %broadcast_in_dim3A_365, %broadcast_in_dim3A_376, %broadcast_in_dim3A_387, %broadcast_in_dim3A_398, %broadcast_in_dim3A_409, %broadcast_in_dim3A_420 in 0 : vector<1x1xf32>, vector<1x1xf32>, vector<1x1xf32>, vector<1x1xf32>, vector<1x1xf32>, vector<1x1xf32>, vector<1x1xf32>, vector<1x1xf32>, vector<1x1xf32>, vector<1x1xf32>, vector<1x1xf32>, vector<1x1xf32>, vector<1x1xf32>, vector<1x1xf32>, vector<1x1xf32>, vector<1x1xf32>, vector<1x1xf32>, vector<1x1xf32>, vector<1x1xf32>, vector<1x1xf32>, vector<1x1xf32>, vector<1x1xf32>, vector<1x1xf32>, vector<1x1xf32>, vector<1x1xf32>, vector<1x1xf32>, vector<1x1xf32>, vector<1x1xf32>, vector<1x1xf32>, vector<1x1xf32>, vector<1x1xf32>, vector<1x1xf32> -> vector<32x1xf32>
    %dot_general3A_421 = arith.constant dense<0.000000e+00> : vector<1x1024xf32>
    %dot_general3A_422 = tpu.matmul %concatenate3A, %convert_element_type3A_25, %dot_general3A_421 {dimension_numbers = #tpu.dot_dimension_numbers<[0], [0], [1], [1], [0, 1, 1, 1], [], []>, transpose_lhs_hint = false} : vector<32x1xf32>, vector<32x1024xf32>, vector<1x1024xf32> -> vector<1x1024xf32>
    %reduce_sum3A_423 = vector.shape_cast %dot_general3A_422 : vector<1x1024xf32> to vector<1x1x1024xf32>
    %reduce_sum3A_424 = arith.constant dense<0.000000e+00> : vector<1xf32>
    %reduce_sum3A_425 = vector.multi_reduction <add>, %reduce_sum3A_423, %reduce_sum3A_424 [1, 2] : vector<1x1x1024xf32> to vector<1xf32>
    %reduce_sum3A_426 = vector.shape_cast %reduce_sum3A_425 : vector<1xf32> to vector<1x1x1xf32>
    %reduce_sum3A_427 = vector.extract %reduce_sum3A_426[0, 0, 0] : f32 from vector<1x1x1xf32>
    %div3A = vector.broadcast %reduce_sum3A_427 : f32 to vector<1x1024xf32>
    %div3A_428 = arith.divf %dot_general3A_422, %div3A : vector<1x1024xf32>
    %add3A_429 = arith.constant 1.000000e-10 : f32
    %add3A_430 = vector.broadcast %add3A_429 : f32 to vector<1x1024xf32>
    %add3A_431 = arith.addf %div3A_428, %add3A_430 : vector<1x1024xf32>
    %log3A = math.log %add3A_431 : vector<1x1024xf32>
    %mul3A_432 = arith.mulf %div3A_428, %log3A : vector<1x1024xf32>
    %reduce_sum3A_433 = vector.shape_cast %mul3A_432 : vector<1x1024xf32> to vector<1x1x1024xf32>
    %reduce_sum3A_434 = arith.constant dense<0.000000e+00> : vector<1xf32>
    %reduce_sum3A_435 = vector.multi_reduction <add>, %reduce_sum3A_433, %reduce_sum3A_434 [1, 2] : vector<1x1x1024xf32> to vector<1xf32>
    %reduce_sum3A_436 = vector.shape_cast %reduce_sum3A_435 : vector<1xf32> to vector<1x1x1xf32>
    %reduce_sum3A_437 = vector.extract %reduce_sum3A_436[0, 0, 0] : f32 from vector<1x1x1xf32>
    %neg3A = arith.constant 0.000000e+00 : f32
    %neg3A_438 = arith.subf %neg3A, %reduce_sum3A_437 : f32
    %exp3A = math.exp %neg3A_438 : f32
    %mul3A_439 = arith.mulf %concatenate3A, %broadcast_in_dim3A_65 : vector<32x1xf32>
    %reduce_sum3A_440 = vector.shape_cast %mul3A_439 : vector<32x1xf32> to vector<1x32x1xf32>
    %reduce_sum3A_441 = arith.constant dense<0.000000e+00> : vector<1xf32>
    %reduce_sum3A_442 = vector.multi_reduction <add>, %reduce_sum3A_440, %reduce_sum3A_441 [1, 2] : vector<1x32x1xf32> to vector<1xf32>
    %reduce_sum3A_443 = vector.shape_cast %reduce_sum3A_442 : vector<1xf32> to vector<1x1x1xf32>
    %reduce_sum3A_444 = vector.extract %reduce_sum3A_443[0, 0, 0] : f32 from vector<1x1x1xf32>
    %mul3A_445 = arith.constant 1.250000e+00 : f32
    %mul3A_446 = arith.mulf %mul3A_445, %reduce_sum3A_444 : f32
    %div3A_447 = arith.constant 0x4A900000 : f32
    %div3A_448 = arith.divf %mul3A_446, %div3A_447 : f32
    %broadcast_in_dim3A_449 = arith.constant 0.000000e+00 : f32
    %broadcast_in_dim3A_450 = vector.broadcast %broadcast_in_dim3A_449 : f32 to vector<1x1xf32>
    %add3A_451 = vector.broadcast %div3A_448 : f32 to vector<1x1xf32>
    %add3A_452 = arith.addf %broadcast_in_dim3A_450, %add3A_451 : vector<1x1xf32>
    %swap3A_453 = arith.constant 0 : index
    %swap3A_454 = arith.constant 0 : index
    %swap3A_455 = vector.load %arg5[%swap3A_453, %swap3A_454] : memref<1x1xf32, #tpu.memory_space<vmem>>, vector<1x1xf32>
    tpu.vector_store %arg5[%swap3A_453, %swap3A_454], %add3A_452 {strides = array<i32>} : memref<1x1xf32, #tpu.memory_space<vmem>>, vector<1x1xf32>,
    %broadcast_in_dim3A_456 = arith.constant 0.000000e+00 : f32
    %broadcast_in_dim3A_457 = vector.broadcast %broadcast_in_dim3A_456 : f32 to vector<1x1xf32>
    %add3A_458 = vector.broadcast %exp3A : f32 to vector<1x1xf32>
    %add3A_459 = arith.addf %broadcast_in_dim3A_457, %add3A_458 : vector<1x1xf32>
    %swap3A_460 = arith.constant 0 : index
    %swap3A_461 = arith.constant 0 : index
    %swap3A_462 = vector.load %arg6[%swap3A_460, %swap3A_461] : memref<1x1xf32, #tpu.memory_space<vmem>>, vector<1x1xf32>
    tpu.vector_store %arg6[%swap3A_460, %swap3A_461], %add3A_459 {strides = array<i32>} : memref<1x1xf32, #tpu.memory_space<vmem>>, vector<1x1xf32>,
    return
  }
}

</mosaic_0001>

<sc_bundles>
// kernel: kernel.4.cloned.1.call-start
scs
__scs_entry_jumppad:
0x0: {  	(pc) =	sbr.rel $0x88, $3  }
0x1: {  	(tag) =	ssettag $0x0;
	lr =	simm.s32 $0x1  }
0x2: {  	[smem:$0x3F9E] =	sst lr;
	_ =	strace $0xD0000000  }
0x3: {  	_ = 	snop  }
0x4: {  	_ = 	snop  }
0x5: {  	_ = 	snop  }
0x6: {  	_ = 	snop  }
0x7: {  	_ = 	snop  }
__scs_overlays_trampoline_lowered:
0x8: {  	[smem:$0x3FAD] =	sst s0  }
0x9: {  	[smem:$0x3FAE] =	sst s1  }
0xa: {  	[smem:$0x3FAF] =	sst s2  }
0xb: {  	[smem:$0x3FB0] =	sst s3  }
0xc: {  	[smem:$0x3FB1] =	sst s4  }
0xd: {  	[smem:$0x3FB2] =	sst s5  }
0xe: {  	[smem:$0x3FB3] =	sst s6  }
0xf: {  	[smem:$0x3FB4] =	sst s7  }
0x10: {  	[smem:$0x3FB5] =	sst s8  }
0x11: {  	[smem:$0x3FB6] =	sst s9;
	s0 =	simm.s32 @!p0 $0x0  }
0x12: {  	s1 =	sld [smem:$0x3F9C];
	s0 =	simm.s32 @p0 $0x1  }
0x13: {  	[smem:$0x3FB7] =	sst s0;
	s0 =	simm.s32 @!p1 $0x0  }
0x14: {  	s2 =	sld [smem:$0x3F9B];
	s0 =	simm.s32 @p1 $0x1  }
0x15: {  	[smem:$0x3FB8] =	sst s0;
	s0 =	simm.s32 @!p2 $0x0  }
0x16: {  	s3 =	sld [smem:$0x3FDB];
	s0 =	simm.s32 @p2 $0x1  }
0x17: {  	s4 =	simm.s32 $0x1BF5;
	[smem:$0x3FBA] =	sst s0  }
0x18: {  	s0 =	sld [smem:$0x3F9D];
	_ =	swait.ge [sflag:s4], $0x0  }
0x19: {  	s7 =	sld [smem:$0x3F9E]  }
0x1a: {  	s8 =	sadd.s32 $0xFFFFE003, lr  }
0x1b: {  	s9 =	sadd.s32 $0xFFFFFEF7, lr;
	s5 =	simm.s32 $0xFFFFFFFF;
	p2 =	slt.u32 s8, $0xFFFFF086  }
0x1c: {  	p1 =	slt.u32 s9, $0xF7A;
	s5 =	simm.s32 @!p2 $0x0  }
0x1d: {  	s5 =	simm.s32 @p1 $0x1;
	p0 =	seq.s32 s7, s2  }
0x1e: {  	s7 =	smul.u32 @!p0 $0xF7A, s2;
	p2 =	seq.s32 @!p0 s5, $0x0  }
0x1f: {  	s9 =	smul.u32 $0xF7A, s1;
	s8 =	simm.s32 @!p0 $0x1BF5;
	p2 =	por !p2, p0  }
0x20: {  	[sflag:s8] =	ssyncset.s32 @!p0 $0xFFFFF086;
	s6 =	sadd.s32 @!p0 s3, s7;
	s7 =	simm.s32 @!p0 $0x108  }
0x21: {  	s3 =	sadd.s32 s3, s9;
	s6 =	sadd.s32 @!p0 $0x88, s6;
	s7 =	simm.s32 @p2 $0x1082  }
0x22: {  	[simem:s7], [sflag:s8] =	dma.local @!p0 [hbm:s6], $0xF7A  }
0x23: {  	s9 =	sor.u32 $0xD0000000, s2;
	s6 =	simm.s32 $0x108;
	_ =	swait.ge @!p0 [sflag:s8], $0x0  }
0x24: {  	s3 =	sadd.s32 $0x88, s3;
	s6 =	simm.s32 @!p1 $0x1082;
	[sflag:s4] =	ssyncset.s32 $0xFFFFF086  }
0x25: {  	[simem:s6], [sflag:s4] =	dma.local [hbm:s3], $0xF7A  }
0x26: {  	[smem:$0x3F9E] =	sst s1;
	(tag) =	ssettag s2;
	_ =	strace s9  }
0x27: {  	s1 =	sld [smem:$0x3FAE]  }
0x28: {  	s2 =	sld [smem:$0x3FAF]  }
0x29: {  	s4 =	sld [smem:$0x3FB1]  }
0x2a: {  	p0 =	seq.s32 s5, $0x0;
	s5 =	sld [smem:$0x3FB2]  }
0x2b: {  	s6 =	sld [smem:$0x3FB3]  }
0x2c: {  	s7 =	sld [smem:$0x3FB4]  }
0x2d: {  	s3 =	simm.s32 $0x108;
	s8 =	sld [smem:$0x3FB5]  }
0x2e: {  	s3 =	simm.s32 @!p0 $0x1082;
	s9 =	sld [smem:$0x3FB6]  }
0x2f: {  	lr =	sadd.s32 s0, s3;
	s0 =	sld [smem:$0x3FAD]  }
0x30: {  	s3 =	sld [smem:$0x3FB0]  }
0x31: {  	[smem:$0x3FB9] =	sst s10  }
0x32: {  	s10 =	sld [smem:$0x3FB7];
	_ =	sdelay $0x3  }
0x33: {  	p0 =	seq.s32 s10, $0x1;
	s10 =	sld [smem:$0x3FB9];
	_ =	sdelay $0x3  }
0x34: {  	[smem:$0x3FB9] =	sst s10  }
0x35: {  	s10 =	sld [smem:$0x3FB8];
	_ =	sdelay $0x3  }
0x36: {  	p1 =	seq.s32 s10, $0x1;
	s10 =	sld [smem:$0x3FB9];
	_ =	sdelay $0x3  }
0x37: {  	[smem:$0x3FB9] =	sst s10  }
0x38: {  	s10 =	sld [smem:$0x3FBA]  }
0x39: {  	_ = 	snop;
	(pc) =	sbr.ind lr, $3  }
0x3a: {  	_ = 	snop  }
0x3b: {  	_ = 	snop  }
0x3c: {  	p2 =	seq.s32 s10, $0x1;
	s10 =	sld [smem:$0x3FB9]  }
0x3d: {  	_ =	shalt  }
0x3e: {  	_ =	shalt  }
0x3f: {  	_ =	shalt  }
0x40: {  	_ =	shalt  }
0x41: {  	_ =	shalt  }
0x42: {  	_ =	shalt  }
0x43: {  	_ =	shalt  }
0x44: {  	_ =	shalt  }
0x45: {  	_ =	shalt  }
0x46: {  	_ =	shalt  }
0x47: {  	_ =	shalt  }
0x48: {  	_ =	shalt  }
0x49: {  	_ =	shalt  }
0x4a: {  	_ =	shalt  }
0x4b: {  	_ =	shalt  }
0x4c: {  	_ =	shalt  }
0x4d: {  	_ =	shalt  }
0x4e: {  	_ =	shalt  }
0x4f: {  	_ =	shalt  }
0x50: {  	_ =	shalt  }
0x51: {  	_ =	shalt  }
0x52: {  	_ =	shalt  }
0x53: {  	_ =	shalt  }
0x54: {  	_ =	shalt  }
0x55: {  	_ =	shalt  }
0x56: {  	_ =	shalt  }
0x57: {  	_ =	shalt  }
0x58: {  	_ =	shalt  }
0x59: {  	_ =	shalt  }
0x5a: {  	_ =	shalt  }
0x5b: {  	_ =	shalt  }
0x5c: {  	_ =	shalt  }
0x5d: {  	_ =	shalt  }
0x5e: {  	_ =	shalt  }
0x5f: {  	_ =	shalt  }
0x60: {  	_ =	shalt  }
0x61: {  	_ =	shalt  }
0x62: {  	_ =	shalt  }
0x63: {  	_ =	shalt  }
0x64: {  	_ =	shalt  }
0x65: {  	_ =	shalt  }
0x66: {  	_ =	shalt  }
0x67: {  	_ =	shalt  }
0x68: {  	_ =	shalt  }
0x69: {  	_ =	shalt  }
0x6a: {  	_ =	shalt  }
0x6b: {  	_ =	shalt  }
0x6c: {  	_ =	shalt  }
0x6d: {  	_ =	shalt  }
0x6e: {  	_ =	shalt  }
0x6f: {  	_ =	shalt  }
0x70: {  	_ =	shalt  }
0x71: {  	_ =	shalt  }
0x72: {  	_ =	shalt  }
0x73: {  	_ =	shalt  }
0x74: {  	_ =	shalt  }
0x75: {  	_ =	shalt  }
0x76: {  	_ =	shalt  }
0x77: {  	_ =	shalt  }
0x78: {  	_ =	shalt  }
0x79: {  	_ =	shalt  }
0x7a: {  	_ =	shalt  }
0x7b: {  	_ =	shalt  }
0x7c: {  	_ =	shalt  }
0x7d: {  	_ =	shalt  }
0x7e: {  	_ =	shalt  }
0x7f: {  	_ =	shalt  }
0x80: {  	_ =	shalt  }
0x81: {  	_ =	shalt  }
0x82: {  	_ =	shalt  }
0x83: {  	_ =	shalt  }
0x84: {  	_ =	shalt  }
0x85: {  	_ =	shalt  }
0x86: {  	_ =	shalt  }
0x87: {  	_ =	shalt  }
.Lfunc_end0:
.L_simem_size_0:
called_computation_lowered:
.L_overlay_start_0:
0x88: {  	s2 =	sld [smem:$0x3FD9]  }
0x89: {  	s3 =	sld [smem:$0x3FFE];
	_ =	sdelay $0x1  }
0x8a: {  	s1 =	srdreg.scid  }
0x8b: {  	s0 =	sand.u32 $0x1, s1  }
0x8c: {  	s14 =	sshll.u32 s0, $0xA;
	s2 =	sadd.s32 s3, s2  }
0x8d: {  	s2 =	sadd.s32 s2, s14  }
0x8e: {  	[smem:$0x3FC5] =	sst s2  }
0x8f: {  	_ = 	snop  }
0x90: {  	s2 =	sld [smem:$0x3FD0];
	_ =	sdelay $0x2  }
0x91: {  	s15 =	simm.s32 $0xA;
	s4 =	simm.s32 $0x10  }
0x92: {  	[smem:s4], [sflag:s15] =	dma.local [hbm:s2], $0x1  }
0x93: {  	_ =	swait.eq [sflag:s15], $0x1  }
0x94: {  	[sflag:s15] =	ssyncset.done $0x0  }
0x95: {  	s16 =	sld [smem:$0x10];
	[sflag:s15] =	ssyncadd.s32 $0xFFFFFFFF  }
0x96: {  	s17 =	sld [smem:$0x13];
	(tm) =	ssettm $0x1  }
0x97: {  	s18 =	sld [smem:$0x3FFB];
	_ =	sdelay $0x3  }
0x98: {  	_ =	strace s18  }
0x99: {  	s4 =	sld [smem:$0x3FFC];
	_ =	sdelay $0x3  }
0x9a: {  	_ =	strace s4  }
0x9b: {  	s4 =	sld [smem:$0x3FFD];
	_ =	sdelay $0x3  }
0x9c: {  	_ =	strace s4  }
0x9d: {  	_ =	strace $0x8FFFFFFF  }
0x9e: {  	s19 =	sld [smem:$0x3FDB];
	_ =	sdelay $0x1  }
0x9f: {  	s5 =	simm.s32 $_scs_section_size  }
0xa0: {  	s6 =	simm.s32 $_size__tile_overlayer_lowered;
	s7 =	simm.s32 $_tile_overlayer_lowered  }
0xa1: {  	s22 =	simm.s32 $0x1BFF;
	s21 =	sshll.u32 s7, $0x1;
	s4 =	sadd.s32 s5, s19  }
0xa2: {  	s8 =	simm.s32 $0x0;
	s20 =	sshll.u32 s6, $0x1;
	s6 =	sadd.s32 s21, s4  }
0xa3: {  	[timem:s8], [sflag:s22] =	dma.local [hbm:s6], s20  }
0xa4: {  	_ =	swait.ge [sflag:s22], s20  }
0xa5: {  	s5 =	ssub.s32 $0x0, s20;
	[sflag:s22] =	ssyncset.done $0x0  }
0xa6: {  	[sflag:s22] =	ssyncadd.s32 s5;
	_ =	sdelay $0x1  }
0xa7: {  	s23 =	simm.s32 $0x1B8B  }
0xa8: {  	_ =	swait.ge [sflag:s23], $0x1  }
0xa9: {  	[sflag:s23] =	ssyncset.done $0x0  }
0xaa: {  	s25 =	simm.s32 $0x1B8E;
	s24 =	sld [smem:$0x3FFE];
	[sflag:s23] =	ssyncadd.s32 $0xFFFFFFFF  }
0xab: {  	s26 =	simm.s32 $execute0_lowered;
	[smem:$0x3FD2] =	sst s25  }
0xac: {  	s6 =	sshll.u32 s26, $0x1;
	_ =	strace $0x80000046;
	[dreg:$0x1] =	wrdreg $0xFFFFFFFF  }
0xad: {  	s28 =	simm.s32 $_size_execute0_lowered;
	s4 =	sadd.s32 s4, s6;
	[dreg:$0x0] =	wrdreg $0x0  }
0xae: {  	s6 =	sshll.u32 s28, $0x1;
	[dreg:$0x2] =	wrdreg s4  }
0xaf: {  	[dreg:$0x3] =	wrdreg s6  }
0xb0: {  	[dreg:$0x4] =	wrdreg $0xC0  }
0xb1: {  	_ =	task [dreg:s8], $0x5FFFF  }
0xb2: {  	[dreg:$0x1] =	wrdreg $0xFFFFFFFF  }
0xb3: {  	[dreg:$0x0] =	wrdreg $0x60  }
0xb4: {  	[dreg:$0x2] =	wrdreg s17  }
0xb5: {  	[dreg:$0x3] =	wrdreg s24  }
0xb6: {  	[dreg:$0x4] =	wrdreg s16  }
0xb7: {  	[dreg:$0x5] =	wrdreg $0x9  }
0xb8: {  	_ =	task.clear_ibuf [dreg:s8], $0x6FFFF;
	_ =	strace $0x90000046  }
0xb9: {  	s29 =	simm.s32 $0x9;
	_ =	strace $0x80000048  }
0xba: {  	_ =	swait.ge [sflag:s29], $0x1  }
0xbb: {  	[sflag:s29] =	ssyncadd.s32 $0xFFFFFFFF  }
0xbc: {  	_ =	strace $0x90000048  }
0xbd: {  	_ =	sfence  }
0xbe: {  	s30 =	sld [smem:$0x0];
	_ =	sdelay $0x2  }
0xbf: {  	s31 =	sshll.u32 s1, $0xD;
	s1 =	sshrl.u32 s1, $0x2  }
0xc0: {  	s3 =	sand.u32 $0x4000, s31;
	s1 =	sadd.s32 s1, s30  }
0xc1: {  	s0 =	sor.u32 s3, s0;
	s1 =	sshll.u32 s1, $0x11  }
0xc2: {  	s0 =	sor.u32 s1, s0  }
0xc3: {  	s0 =	sadd.s32 $0x8F2B, s0  }
0xc4: {  	[sflag:s0] =	ssyncadd.remote.s32 $0x1  }
0xc5: {  	_ =	sfence.sel $0xFFFF  }
0xc6: {  	[dreg:$0x0] =	wrdreg $0xFFFFFFFF;
	(pc) =	sbr.abs _section_cstart, $3  }
0xc7: {  	[dreg:$0x1] =	wrdreg $0xFFFFFFFF  }
0xc8: {  	_ =	task.clear_ibuf [dreg:s8], $0x2FFFF;
	_ =	strace $0x9FFFFFFF  }
0xc9: {  	(tm) =	ssettm $0x7FFFFFFF  }
tec
execute0_lowered:
.L_overlay_start_1:
0x0: {  	(tag) =	ssettag $0x1  }
0x1: {  	s0 =	rddreg [dreg:$0x0]  }
0x2: {  	s3 =	rddreg [dreg:$0x1]  }
0x3: {  	s4 =	rddreg [dreg:$0x2]  }
0x4: {  	s5 =	srdreg.scid;
	s1 =	stileid.u32  }
0x5: {  	s2 =	simm.s32 $0x0;
	s24 =	simm.s32 $0x100;
	s10 =	simm.s32 $0x8500  }
0x6: {  	s25 =	simm.s32 $0x180;
	s26 =	simm.s32 $0x200;
	s28 =	simm.s32 $0x8  }
0x7: {  	s29 =	simm.s32 $0xC;
	[smem:$0x7FF] =	sst s2;
	s7 =	sadd.s32 $0x4E00, s3  }
0x8: {  	s30 =	simm.s32 $0xD;
	_ =	strace $0x80000047;
	[dreg:$0x4] =	wrdreg s7  }
0x9: {  	s5 =	sand.u32 $0x1, s5;
	s6 =	sshll.u32 s1, $0x1;
	[dreg:$0x10] =	wrdreg s24  }
0xa: {  	s31 =	simm.s32 $0xE;
	s6 =	sor.u32 s5, s6;
	[dreg:$0x11] =	wrdreg s25  }
0xb: {  	s5 =	ssub.s32 $0x2, s5;
	[dreg:$0x12] =	wrdreg s26;
	s8 =	smul.u32 $0x90, s6  }
0xc: {  	s24 =	simm.s32 $0xB;
	s25 =	simm.s32 $0x400;
	s11 =	smul.u32 $0x24000, s6  }
0xd: {  	s26 =	simm.s32 $0x7;
	s12 =	smul.u32 $0x4800, s6;
	s21 =	sshrl.u32 s5, $0x1  }
0xe: {  	s6 =	sshll.u32 s6, $0x9;
	s5 =	ssub.s32 s5, s21;
	s21 =	simm.s32 $0xA  }
0xf: {  	s9 =	sadd.s32 s8, s3;
	s0 =	sadd.s32 s0, s8;
	s7 =	sshrl.u32 s11, $0x3  }
0x10: {  	s14 =	sadd.s32 s4, s12;
	s3 =	sadd.s32 s6, s3;
	s6 =	simm.s32 $0x1  }
0x11: {  	s8 =	simm.s32 $0x500;
	s11 =	simm.s32 $0xC500;
	[dreg:$0x5] =	wrdreg s0  }
0x12: {  	s13 =	sadd.s32 $0x5000, s9;
	s4 =	sadd.s32 s4, s7;
	[dreg:$0x7] =	wrdreg s14  }
0x13: {  	s12 =	simm.s32 $0x10500;
	[dreg:$0x6] =	wrdreg s13;
	s15 =	sadd.s32 $0x800, s4  }
0x14: {  	s3 =	sadd.s32 $0xE00, s3;
	s16 =	sadd.s32 $0x1000, s4;
	[dreg:$0x8] =	wrdreg s15  }
0x15: {  	s7 =	simm.s32 $0x80;
	s17 =	sadd.s32 $0x1800, s4;
	[dreg:$0x9] =	wrdreg s16  }
0x16: {  	s9 =	simm.s32 $0x4500;
	s18 =	sadd.s32 $0x2000, s4;
	[dreg:$0xa] =	wrdreg s17  }
0x17: {  	s14 =	simm.s32 $0x3;
	s19 =	sadd.s32 $0x2800, s4;
	[dreg:$0xb] =	wrdreg s18  }
0x18: {  	s0 =	simm.s32 $0x2;
	s20 =	sadd.s32 $0x3000, s4;
	[dreg:$0xc] =	wrdreg s19  }
0x19: {  	s22 =	sadd.s32 $0x3800, s4;
	s23 =	sadd.s32 $0x4000, s4;
	[dreg:$0xd] =	wrdreg s20  }
0x1a: {  	s4 =	smax.u32 s5, $0x1;
	s5 =	simm.s32 $0x480;
	[dreg:$0xe] =	wrdreg s22  }
0x1b: {  	[dreg:$0xf] =	wrdreg s23;
	s15 =	simm.s32 $0x280;
	s16 =	simm.s32 $0x14500  }
0x1c: {  	s17 =	simm.s32 $0x4;
	s18 =	simm.s32 $0x9;
	s19 =	simm.s32 $0x300  }
0x1d: {  	s20 =	simm.s32 $0x5;
	s22 =	simm.s32 $0x380;
	s23 =	simm.s32 $0x6  }
.LBB2_1:
0x1e: {  	s1 =	rddreg [dreg:$0x5]  }
0x1f: {  	[tilespmem:s2], [sflag:$0x1] =	stream.linear.gather [hbm4b:s1+s2], $0x480, $0x38;
	[tilespmem:$0x18980] =	vst v63  }
0x20: {  	s13 =	rddreg [dreg:$0x4]  }
0x21: {  	[tilespmem:s5], [sflag:$0x1] =	stream.linear.gather [hbm4b:s13+s2], $0x80, $0x38;
	[tilespmem:$0x18980] =	vst v63  }
0x22: {  	_ =	swait.ge [sflag:s6], $0x480  }
0x23: {  	[sflag:s6] =	ssyncset.done $0x0  }
0x24: {  	[sflag:s6] =	ssyncadd.s32 $0xFFFFFB80  }
0x25: {  	_ =	swait.ge [sflag:s6], $0x80  }
0x26: {  	[sflag:s6] =	ssyncset.done $0x0  }
0x27: {  	[sflag:s6] =	ssyncadd.s32 $0xFFFFFF80  }
0x28: {  	[tilespmem:s8], [sflag:$0x3] =	stream.indirect.gather [hbm4b:s3+s7], $0x80, s2, s7, $0xb8;
	[tilespmem:$0x18980] =	vst v63  }
0x29: {  	_ = 	snop  }
0x2a: {  	[tilespmem:s9], [sflag:$0x4] =	stream.indirect.gather [hbm4b:s3+s7], $0x80, s7, s7, $0xb8;
	[tilespmem:$0x18980] =	vst v63  }
0x2b: {  	s1 =	rddreg [dreg:$0x10]  }
0x2c: {  	[tilespmem:s10], [sflag:$0x5] =	stream.indirect.gather [hbm4b:s3+s7], $0x80, s1, s7, $0xb8;
	[tilespmem:$0x18980] =	vst v63  }
0x2d: {  	s13 =	rddreg [dreg:$0x11]  }
0x2e: {  	[tilespmem:s11], [sflag:$0x6] =	stream.indirect.gather [hbm4b:s3+s7], $0x80, s13, s7, $0xb8;
	[tilespmem:$0x18980] =	vst v63  }
0x2f: {  	s1 =	rddreg [dreg:$0x12]  }
0x30: {  	[tilespmem:s12], [sflag:$0x7] =	stream.indirect.gather [hbm4b:s3+s7], $0x80, s1, s7, $0xb8;
	[tilespmem:$0x18980] =	vst v63  }
0x31: {  	v0 =	vld [tilespmem:$0x0];
	_ =	sdelay $0x5  }
0x32: {  	v1 =	vld [tilespmem:$0x10];
	_ =	sdelay $0x1  }
0x33: {  	v0 =	vld.idx.msk [tilespmem:v0+s5+$0x0], $0xffff;
	_ =	sdelay $0x3  }
0x34: {  	v2 =	vld [tilespmem:$0x20]  }
0x35: {  	[tilespmem:$0x18500] =	vst v0  }
0x36: {  	v0 =	vld.idx.msk [tilespmem:v1+s5+$0x0], $0xffff;
	_ =	sdelay $0x3  }
0x37: {  	v55 =	vld [tilespmem:$0x30]  }
0x38: {  	[tilespmem:$0x18510] =	vst v0  }
0x39: {  	v0 =	vld.idx.msk [tilespmem:v2+s5+$0x0], $0xffff;
	_ =	sdelay $0x3  }
0x3a: {  	v56 =	vld [tilespmem:$0x40]  }
0x3b: {  	[tilespmem:$0x18520] =	vst v0  }
0x3c: {  	v0 =	vld.idx.msk [tilespmem:v55+s5+$0x0], $0xffff;
	_ =	sdelay $0x3  }
0x3d: {  	v57 =	vld [tilespmem:$0x50]  }
0x3e: {  	[tilespmem:$0x18530] =	vst v0  }
0x3f: {  	v0 =	vld.idx.msk [tilespmem:v56+s5+$0x0], $0xffff;
	_ =	sdelay $0x3  }
0x40: {  	v58 =	vld [tilespmem:$0x60]  }
0x41: {  	[tilespmem:$0x18540] =	vst v0  }
0x42: {  	v0 =	vld.idx.msk [tilespmem:v57+s5+$0x0], $0xffff;
	_ =	sdelay $0x3  }
0x43: {  	v59 =	vld [tilespmem:$0x70]  }
0x44: {  	[tilespmem:$0x18550] =	vst v0  }
0x45: {  	v0 =	vld.idx.msk [tilespmem:v58+s5+$0x0], $0xffff;
	_ =	sdelay $0x3  }
0x46: {  	v60 =	vld [tilespmem:$0x80]  }
0x47: {  	[tilespmem:$0x18560] =	vst v0  }
0x48: {  	v0 =	vld.idx.msk [tilespmem:v59+s5+$0x0], $0xffff;
	_ =	sdelay $0x3  }
0x49: {  	v61 =	vld [tilespmem:$0x90]  }
0x4a: {  	[tilespmem:$0x18570] =	vst v0  }
0x4b: {  	v0 =	vld.idx.msk [tilespmem:v60+s5+$0x0], $0xffff;
	_ =	sdelay $0x3  }
0x4c: {  	v62 =	vld [tilespmem:$0xA0]  }
0x4d: {  	[tilespmem:$0x18580] =	vst v0  }
0x4e: {  	v0 =	vld.idx.msk [tilespmem:v61+s5+$0x0], $0xffff;
	_ =	sdelay $0x3  }
0x4f: {  	v63 =	vld [tilespmem:$0xB0]  }
0x50: {  	[tilespmem:$0x18590] =	vst v0  }
0x51: {  	v0 =	vld.idx.msk [tilespmem:v62+s5+$0x0], $0xffff;
	_ =	sdelay $0x3  }
0x52: {  	v4 =	vld [tilespmem:$0xC0]  }
0x53: {  	[tilespmem:$0x185A0] =	vst v0  }
0x54: {  	v0 =	vld.idx.msk [tilespmem:v63+s5+$0x0], $0xffff;
	_ =	sdelay $0x3  }
0x55: {  	v5 =	vld [tilespmem:$0xD0]  }
0x56: {  	[tilespmem:$0x185B0] =	vst v0  }
0x57: {  	v0 =	vld.idx.msk [tilespmem:v4+s5+$0x0], $0xffff;
	_ =	sdelay $0x3  }
0x58: {  	v6 =	vld [tilespmem:$0xE0]  }
0x59: {  	[tilespmem:$0x185C0] =	vst v0  }
0x5a: {  	v0 =	vld.idx.msk [tilespmem:v5+s5+$0x0], $0xffff;
	_ =	sdelay $0x3  }
0x5b: {  	v7 =	vld [tilespmem:$0xF0]  }
0x5c: {  	[tilespmem:$0x185D0] =	vst v0  }
0x5d: {  	v0 =	vld.idx.msk [tilespmem:v6+s5+$0x0], $0xffff;
	_ =	sdelay $0x3  }
0x5e: {  	v8 =	vld [tilespmem:$0x100]  }
0x5f: {  	[tilespmem:$0x185E0] =	vst v0  }
0x60: {  	v0 =	vld.idx.msk [tilespmem:v7+s5+$0x0], $0xffff;
	_ =	sdelay $0x3  }
0x61: {  	v9 =	vld [tilespmem:$0x110]  }
0x62: {  	[tilespmem:$0x185F0] =	vst v0  }
0x63: {  	v0 =	vld.idx.msk [tilespmem:v8+s5+$0x0], $0xffff;
	_ =	sdelay $0x3  }
0x64: {  	v10 =	vld [tilespmem:$0x120]  }
0x65: {  	[tilespmem:$0x18600] =	vst v0  }
0x66: {  	v0 =	vld.idx.msk [tilespmem:v9+s5+$0x0], $0xffff;
	_ =	sdelay $0x3  }
0x67: {  	v11 =	vld [tilespmem:$0x130]  }
0x68: {  	[tilespmem:$0x18610] =	vst v0  }
0x69: {  	v0 =	vld.idx.msk [tilespmem:v10+s5+$0x0], $0xffff;
	_ =	sdelay $0x3  }
0x6a: {  	v12 =	vld [tilespmem:$0x140]  }
0x6b: {  	[tilespmem:$0x18620] =	vst v0  }
0x6c: {  	v0 =	vld.idx.msk [tilespmem:v11+s5+$0x0], $0xffff;
	_ =	sdelay $0x3  }
0x6d: {  	v13 =	vld [tilespmem:$0x150]  }
0x6e: {  	[tilespmem:$0x18630] =	vst v0  }
0x6f: {  	v0 =	vld.idx.msk [tilespmem:v12+s5+$0x0], $0xffff;
	_ =	sdelay $0x3  }
0x70: {  	v14 =	vld [tilespmem:$0x160]  }
0x71: {  	[tilespmem:$0x18640] =	vst v0  }
0x72: {  	v0 =	vld.idx.msk [tilespmem:v13+s5+$0x0], $0xffff;
	_ =	sdelay $0x3  }
0x73: {  	v15 =	vld [tilespmem:$0x170]  }
0x74: {  	[tilespmem:$0x18650] =	vst v0  }
0x75: {  	v0 =	vld.idx.msk [tilespmem:v14+s5+$0x0], $0xffff;
	_ =	sdelay $0x3  }
0x76: {  	v16 =	vld [tilespmem:$0x180]  }
0x77: {  	[tilespmem:$0x18660] =	vst v0  }
0x78: {  	v0 =	vld.idx.msk [tilespmem:v15+s5+$0x0], $0xffff;
	_ =	sdelay $0x3  }
0x79: {  	v17 =	vld [tilespmem:$0x190]  }
0x7a: {  	[tilespmem:$0x18670] =	vst v0  }
0x7b: {  	v0 =	vld.idx.msk [tilespmem:v16+s5+$0x0], $0xffff;
	_ =	sdelay $0x3  }
0x7c: {  	v18 =	vld [tilespmem:$0x1A0]  }
0x7d: {  	[tilespmem:$0x18680] =	vst v0  }
0x7e: {  	v0 =	vld.idx.msk [tilespmem:v17+s5+$0x0], $0xffff;
	_ =	sdelay $0x3  }
0x7f: {  	v19 =	vld [tilespmem:$0x1B0]  }
0x80: {  	[tilespmem:$0x18690] =	vst v0  }
0x81: {  	v0 =	vld.idx.msk [tilespmem:v18+s5+$0x0], $0xffff;
	_ =	sdelay $0x3  }
0x82: {  	v20 =	vld [tilespmem:$0x1C0]  }
0x83: {  	[tilespmem:$0x186A0] =	vst v0  }
0x84: {  	v0 =	vld.idx.msk [tilespmem:v19+s5+$0x0], $0xffff;
	_ =	sdelay $0x3  }
0x85: {  	v21 =	vld [tilespmem:$0x1D0]  }
0x86: {  	[tilespmem:$0x186B0] =	vst v0  }
0x87: {  	v0 =	vld.idx.msk [tilespmem:v20+s5+$0x0], $0xffff;
	_ =	sdelay $0x3  }
0x88: {  	v22 =	vld [tilespmem:$0x1E0]  }
0x89: {  	[tilespmem:$0x186C0] =	vst v0  }
0x8a: {  	v0 =	vld.idx.msk [tilespmem:v21+s5+$0x0], $0xffff;
	_ =	sdelay $0x3  }
0x8b: {  	v23 =	vld [tilespmem:$0x1F0]  }
0x8c: {  	[tilespmem:$0x186D0] =	vst v0  }
0x8d: {  	v0 =	vld.idx.msk [tilespmem:v22+s5+$0x0], $0xffff;
	_ =	sdelay $0x3  }
0x8e: {  	v24 =	vld [tilespmem:$0x200]  }
0x8f: {  	[tilespmem:$0x186E0] =	vst v0  }
0x90: {  	v0 =	vld.idx.msk [tilespmem:v23+s5+$0x0], $0xffff;
	_ =	sdelay $0x3  }
0x91: {  	v25 =	vld [tilespmem:$0x210]  }
0x92: {  	[tilespmem:$0x186F0] =	vst v0  }
0x93: {  	v0 =	vld.idx.msk [tilespmem:v24+s5+$0x0], $0xffff;
	_ =	sdelay $0x3  }
0x94: {  	v26 =	vld [tilespmem:$0x220]  }
0x95: {  	[tilespmem:$0x18700] =	vst v0  }
0x96: {  	v0 =	vld.idx.msk [tilespmem:v25+s5+$0x0], $0xffff;
	_ =	sdelay $0x3  }
0x97: {  	v27 =	vld [tilespmem:$0x230]  }
0x98: {  	[tilespmem:$0x18710] =	vst v0  }
0x99: {  	v0 =	vld.idx.msk [tilespmem:v26+s5+$0x0], $0xffff;
	_ =	sdelay $0x3  }
0x9a: {  	v28 =	vld [tilespmem:$0x240]  }
0x9b: {  	[tilespmem:$0x18720] =	vst v0  }
0x9c: {  	v0 =	vld.idx.msk [tilespmem:v27+s5+$0x0], $0xffff;
	_ =	sdelay $0x3  }
0x9d: {  	v29 =	vld [tilespmem:$0x250]  }
0x9e: {  	[tilespmem:$0x18730] =	vst v0  }
0x9f: {  	v0 =	vld.idx.msk [tilespmem:v28+s5+$0x0], $0xffff;
	_ =	sdelay $0x3  }
0xa0: {  	v30 =	vld [tilespmem:$0x260]  }
0xa1: {  	[tilespmem:$0x18740] =	vst v0  }
0xa2: {  	v0 =	vld.idx.msk [tilespmem:v29+s5+$0x0], $0xffff;
	_ =	sdelay $0x3  }
0xa3: {  	v31 =	vld [tilespmem:$0x270]  }
0xa4: {  	[tilespmem:$0x18750] =	vst v0  }
0xa5: {  	v0 =	vld.idx.msk [tilespmem:v30+s5+$0x0], $0xffff;
	_ =	sdelay $0x3  }
0xa6: {  	v32 =	vld [tilespmem:$0x280]  }
0xa7: {  	[tilespmem:$0x18760] =	vst v0  }
0xa8: {  	v0 =	vld.idx.msk [tilespmem:v31+s5+$0x0], $0xffff;
	_ =	sdelay $0x3  }
0xa9: {  	v33 =	vld [tilespmem:$0x290]  }
0xaa: {  	[tilespmem:$0x18770] =	vst v0  }
0xab: {  	v0 =	vld.idx.msk [tilespmem:v32+s5+$0x0], $0xffff;
	_ =	sdelay $0x3  }
0xac: {  	v34 =	vld [tilespmem:$0x2A0]  }
0xad: {  	[tilespmem:$0x18780] =	vst v0  }
0xae: {  	v0 =	vld.idx.msk [tilespmem:v33+s5+$0x0], $0xffff;
	_ =	sdelay $0x3  }
0xaf: {  	v35 =	vld [tilespmem:$0x2B0]  }
0xb0: {  	[tilespmem:$0x18790] =	vst v0  }
0xb1: {  	v0 =	vld.idx.msk [tilespmem:v34+s5+$0x0], $0xffff;
	_ =	sdelay $0x3  }
0xb2: {  	v36 =	vld [tilespmem:$0x2C0]  }
0xb3: {  	[tilespmem:$0x187A0] =	vst v0  }
0xb4: {  	v0 =	vld.idx.msk [tilespmem:v35+s5+$0x0], $0xffff;
	_ =	sdelay $0x3  }
0xb5: {  	v37 =	vld [tilespmem:$0x2D0]  }
0xb6: {  	[tilespmem:$0x187B0] =	vst v0  }
0xb7: {  	v0 =	vld.idx.msk [tilespmem:v36+s5+$0x0], $0xffff;
	_ =	sdelay $0x3  }
0xb8: {  	v38 =	vld [tilespmem:$0x2E0]  }
0xb9: {  	[tilespmem:$0x187C0] =	vst v0  }
0xba: {  	v0 =	vld.idx.msk [tilespmem:v37+s5+$0x0], $0xffff;
	_ =	sdelay $0x3  }
0xbb: {  	v39 =	vld [tilespmem:$0x2F0]  }
0xbc: {  	[tilespmem:$0x187D0] =	vst v0  }
0xbd: {  	v0 =	vld.idx.msk [tilespmem:v38+s5+$0x0], $0xffff;
	_ =	sdelay $0x3  }
0xbe: {  	v40 =	vld [tilespmem:$0x300]  }
0xbf: {  	[tilespmem:$0x187E0] =	vst v0  }
0xc0: {  	v0 =	vld.idx.msk [tilespmem:v39+s5+$0x0], $0xffff;
	_ =	sdelay $0x3  }
0xc1: {  	v41 =	vld [tilespmem:$0x310]  }
0xc2: {  	[tilespmem:$0x187F0] =	vst v0  }
0xc3: {  	v0 =	vld.idx.msk [tilespmem:v40+s5+$0x0], $0xffff;
	_ =	sdelay $0x3  }
0xc4: {  	v42 =	vld [tilespmem:$0x320]  }
0xc5: {  	[tilespmem:$0x18800] =	vst v0  }
0xc6: {  	v0 =	vld.idx.msk [tilespmem:v41+s5+$0x0], $0xffff;
	_ =	sdelay $0x3  }
0xc7: {  	v43 =	vld [tilespmem:$0x330]  }
0xc8: {  	[tilespmem:$0x18810] =	vst v0  }
0xc9: {  	v0 =	vld.idx.msk [tilespmem:v42+s5+$0x0], $0xffff;
	_ =	sdelay $0x3  }
0xca: {  	v44 =	vld [tilespmem:$0x340]  }
0xcb: {  	[tilespmem:$0x18820] =	vst v0  }
0xcc: {  	v0 =	vld.idx.msk [tilespmem:v43+s5+$0x0], $0xffff;
	_ =	sdelay $0x3  }
0xcd: {  	v45 =	vld [tilespmem:$0x350]  }
0xce: {  	[tilespmem:$0x18830] =	vst v0  }
0xcf: {  	v0 =	vld.idx.msk [tilespmem:v44+s5+$0x0], $0xffff;
	_ =	sdelay $0x3  }
0xd0: {  	v46 =	vld [tilespmem:$0x360]  }
0xd1: {  	[tilespmem:$0x18840] =	vst v0  }
0xd2: {  	v0 =	vld.idx.msk [tilespmem:v45+s5+$0x0], $0xffff;
	_ =	sdelay $0x3  }
0xd3: {  	v47 =	vld [tilespmem:$0x370]  }
0xd4: {  	[tilespmem:$0x18850] =	vst v0  }
0xd5: {  	v0 =	vld.idx.msk [tilespmem:v46+s5+$0x0], $0xffff;
	_ =	sdelay $0x3  }
0xd6: {  	v48 =	vld [tilespmem:$0x380]  }
0xd7: {  	[tilespmem:$0x18860] =	vst v0  }
0xd8: {  	v0 =	vld.idx.msk [tilespmem:v47+s5+$0x0], $0xffff;
	_ =	sdelay $0x3  }
0xd9: {  	v49 =	vld [tilespmem:$0x390]  }
0xda: {  	[tilespmem:$0x18870] =	vst v0  }
0xdb: {  	v0 =	vld.idx.msk [tilespmem:v48+s5+$0x0], $0xffff;
	_ =	sdelay $0x3  }
0xdc: {  	v50 =	vld [tilespmem:$0x3A0]  }
0xdd: {  	[tilespmem:$0x18880] =	vst v0  }
0xde: {  	v0 =	vld.idx.msk [tilespmem:v49+s5+$0x0], $0xffff;
	_ =	sdelay $0x3  }
0xdf: {  	v51 =	vld [tilespmem:$0x3B0]  }
0xe0: {  	[tilespmem:$0x18890] =	vst v0  }
0xe1: {  	v0 =	vld.idx.msk [tilespmem:v50+s5+$0x0], $0xffff;
	_ =	sdelay $0x3  }
0xe2: {  	v52 =	vld [tilespmem:$0x3C0]  }
0xe3: {  	[tilespmem:$0x188A0] =	vst v0  }
0xe4: {  	v0 =	vld.idx.msk [tilespmem:v51+s5+$0x0], $0xffff;
	_ =	sdelay $0x3  }
0xe5: {  	v53 =	vld [tilespmem:$0x3D0]  }
0xe6: {  	[tilespmem:$0x188B0] =	vst v0  }
0xe7: {  	v0 =	vld.idx.msk [tilespmem:v52+s5+$0x0], $0xffff;
	_ =	sdelay $0x3  }
0xe8: {  	v54 =	vld [tilespmem:$0x3E0]  }
0xe9: {  	[tilespmem:$0x188C0] =	vst v0  }
0xea: {  	v0 =	vld.idx.msk [tilespmem:v53+s5+$0x0], $0xffff;
	_ =	sdelay $0x3  }
0xeb: {  	v55 =	vld [tilespmem:$0x3F0]  }
0xec: {  	[tilespmem:$0x188D0] =	vst v0  }
0xed: {  	v0 =	vld.idx.msk [tilespmem:v54+s5+$0x0], $0xffff;
	_ =	sdelay $0x3  }
0xee: {  	v56 =	vld [tilespmem:$0x400]  }
0xef: {  	[tilespmem:$0x188E0] =	vst v0  }
0xf0: {  	v0 =	vld.idx.msk [tilespmem:v55+s5+$0x0], $0xffff;
	_ =	sdelay $0x3  }
0xf1: {  	v57 =	vld [tilespmem:$0x410]  }
0xf2: {  	[tilespmem:$0x188F0] =	vst v0  }
0xf3: {  	v0 =	vld.idx.msk [tilespmem:v56+s5+$0x0], $0xffff;
	_ =	sdelay $0x3  }
0xf4: {  	v58 =	vld [tilespmem:$0x420]  }
0xf5: {  	[tilespmem:$0x18900] =	vst v0  }
0xf6: {  	v0 =	vld.idx.msk [tilespmem:v57+s5+$0x0], $0xffff;
	_ =	sdelay $0x3  }
0xf7: {  	v59 =	vld [tilespmem:$0x430]  }
0xf8: {  	[tilespmem:$0x18910] =	vst v0  }
0xf9: {  	v0 =	vld.idx.msk [tilespmem:v58+s5+$0x0], $0xffff;
	_ =	sdelay $0x3  }
0xfa: {  	v60 =	vld [tilespmem:$0x440]  }
0xfb: {  	[tilespmem:$0x18920] =	vst v0  }
0xfc: {  	v0 =	vld.idx.msk [tilespmem:v59+s5+$0x0], $0xffff;
	_ =	sdelay $0x3  }
0xfd: {  	v61 =	vld [tilespmem:$0x450]  }
0xfe: {  	[tilespmem:$0x18930] =	vst v0  }
0xff: {  	v0 =	vld.idx.msk [tilespmem:v60+s5+$0x0], $0xffff;
	_ =	sdelay $0x3  }
0x100: {  	v62 =	vld [tilespmem:$0x460]  }
0x101: {  	[tilespmem:$0x18940] =	vst v0  }
0x102: {  	v0 =	vld.idx.msk [tilespmem:v61+s5+$0x0], $0xffff;
	_ =	sdelay $0x3  }
0x103: {  	v63 =	vld [tilespmem:$0x470]  }
0x104: {  	[tilespmem:$0x18950] =	vst v0  }
0x105: {  	v0 =	vld.idx.msk [tilespmem:v62+s5+$0x0], $0xffff;
	_ =	sdelay $0x4  }
0x106: {  	[tilespmem:$0x18960] =	vst v0  }
0x107: {  	v0 =	vld.idx.msk [tilespmem:v63+s5+$0x0], $0xffff;
	_ =	sdelay $0x4  }
0x108: {  	s13 =	simm.s32 $0x18500;
	s1 =	rddreg [dreg:$0x6];
	[tilespmem:$0x18970] =	vst v0  }
0x109: {  	[hbm4b:s1+s2] =	stream.linear.scatter [tilespmem:s13], [sflag:$0x2], $0x480, $0x38;
	[tilespmem:$0x18980] =	vst v63  }
0x10a: {  	_ =	swait.ge [sflag:s14], $0x4000  }
0x10b: {  	[sflag:s14] =	ssyncset.done $0x0  }
0x10c: {  	s13 =	rddreg [dreg:$0x7];
	[sflag:s14] =	ssyncadd.s32 $0xFFFFC000  }
0x10d: {  	[hbm4b:s13+s2] =	stream.linear.scatter [tilespmem:s8], [sflag:$0x9], $0x4000, $0x38;
	[tilespmem:$0x18980] =	vst v63  }
0x10e: {  	_ = 	snop  }
0x10f: {  	[tilespmem:s16], [sflag:$0x8] =	stream.indirect.gather [hbm4b:s3+s7], $0x80, s15, s7, $0xb8;
	[tilespmem:$0x18980] =	vst v63  }
0x110: {  	_ =	swait.ge [sflag:s17], $0x4000  }
0x111: {  	[sflag:s17] =	ssyncset.done $0x0  }
0x112: {  	s13 =	rddreg [dreg:$0x8];
	[sflag:s17] =	ssyncadd.s32 $0xFFFFC000  }
0x113: {  	[hbm4b:s13+s2] =	stream.linear.scatter [tilespmem:s9], [sflag:$0xA], $0x4000, $0x38;
	[tilespmem:$0x18980] =	vst v63  }
0x114: {  	_ =	swait.ge [sflag:s18], $0x4000  }
0x115: {  	[sflag:s18] =	ssyncset.done $0x0  }
0x116: {  	[sflag:s18] =	ssyncadd.s32 $0xFFFFC000  }
0x117: {  	[tilespmem:s8], [sflag:$0x3] =	stream.indirect.gather [hbm4b:s3+s7], $0x80, s19, s7, $0xb8;
	[tilespmem:$0x18980] =	vst v63  }
0x118: {  	_ =	swait.ge [sflag:s20], $0x4000  }
0x119: {  	[sflag:s20] =	ssyncset.done $0x0  }
0x11a: {  	s13 =	rddreg [dreg:$0x9];
	[sflag:s20] =	ssyncadd.s32 $0xFFFFC000  }
0x11b: {  	[hbm4b:s13+s2] =	stream.linear.scatter [tilespmem:s10], [sflag:$0xB], $0x4000, $0x38;
	[tilespmem:$0x18980] =	vst v63  }
0x11c: {  	_ =	swait.ge [sflag:s21], $0x4000  }
0x11d: {  	[sflag:s21] =	ssyncset.done $0x0  }
0x11e: {  	[sflag:s21] =	ssyncadd.s32 $0xFFFFC000  }
0x11f: {  	[tilespmem:s9], [sflag:$0x4] =	stream.indirect.gather [hbm4b:s3+s7], $0x80, s22, s7, $0xb8;
	[tilespmem:$0x18980] =	vst v63  }
0x120: {  	_ =	swait.ge [sflag:s23], $0x4000  }
0x121: {  	[sflag:s23] =	ssyncset.done $0x0  }
0x122: {  	s13 =	rddreg [dreg:$0xa];
	[sflag:s23] =	ssyncadd.s32 $0xFFFFC000  }
0x123: {  	[hbm4b:s13+s2] =	stream.linear.scatter [tilespmem:s11], [sflag:$0xC], $0x4000, $0x38;
	[tilespmem:$0x18980] =	vst v63  }
0x124: {  	_ =	swait.ge [sflag:s24], $0x4000  }
0x125: {  	[sflag:s24] =	ssyncset.done $0x0  }
0x126: {  	[sflag:s24] =	ssyncadd.s32 $0xFFFFC000  }
0x127: {  	[tilespmem:s10], [sflag:$0x5] =	stream.indirect.gather [hbm4b:s3+s7], $0x80, s25, s7, $0xb8;
	[tilespmem:$0x18980] =	vst v63  }
0x128: {  	_ =	swait.ge [sflag:s26], $0x4000  }
0x129: {  	[sflag:s26] =	ssyncset.done $0x0  }
0x12a: {  	s13 =	rddreg [dreg:$0xb];
	[sflag:s26] =	ssyncadd.s32 $0xFFFFC000  }
0x12b: {  	[hbm4b:s13+s2] =	stream.linear.scatter [tilespmem:s12], [sflag:$0xD], $0x4000, $0x38;
	[tilespmem:$0x18980] =	vst v63  }
0x12c: {  	_ =	swait.ge [sflag:s28], $0x4000  }
0x12d: {  	[sflag:s28] =	ssyncset.done $0x0  }
0x12e: {  	s13 =	rddreg [dreg:$0xc];
	[sflag:s28] =	ssyncadd.s32 $0xFFFFC000  }
0x12f: {  	[hbm4b:s13+s2] =	stream.linear.scatter [tilespmem:s16], [sflag:$0xE], $0x4000, $0x38;
	[tilespmem:$0x18980] =	vst v63  }
0x130: {  	_ =	swait.ge [sflag:s14], $0x4000  }
0x131: {  	[sflag:s14] =	ssyncset.done $0x0  }
0x132: {  	s13 =	rddreg [dreg:$0xd];
	[sflag:s14] =	ssyncadd.s32 $0xFFFFC000  }
0x133: {  	[hbm4b:s13+s2] =	stream.linear.scatter [tilespmem:s8], [sflag:$0x9], $0x4000, $0x38;
	[tilespmem:$0x18980] =	vst v63  }
0x134: {  	_ =	swait.ge [sflag:s17], $0x4000  }
0x135: {  	[sflag:s17] =	ssyncset.done $0x0  }
0x136: {  	s13 =	rddreg [dreg:$0xe];
	[sflag:s17] =	ssyncadd.s32 $0xFFFFC000  }
0x137: {  	[hbm4b:s13+s2] =	stream.linear.scatter [tilespmem:s9], [sflag:$0xA], $0x4000, $0x38;
	[tilespmem:$0x18980] =	vst v63  }
0x138: {  	_ =	swait.ge [sflag:s20], $0x4000  }
0x139: {  	[sflag:s20] =	ssyncset.done $0x0  }
0x13a: {  	s13 =	rddreg [dreg:$0xf];
	[sflag:s20] =	ssyncadd.s32 $0xFFFFC000  }
0x13b: {  	[hbm4b:s13+s2] =	stream.linear.scatter [tilespmem:s10], [sflag:$0xB], $0x4000, $0x38;
	[tilespmem:$0x18980] =	vst v63  }
0x13c: {  	_ =	swait.ge [sflag:s18], $0x4000  }
0x13d: {  	[sflag:s18] =	ssyncset.done $0x0  }
0x13e: {  	[sflag:s18] =	ssyncadd.s32 $0xFFFFC000  }
0x13f: {  	_ =	swait.ge [sflag:s21], $0x4000  }
0x140: {  	[sflag:s21] =	ssyncset.done $0x0  }
0x141: {  	[sflag:s21] =	ssyncadd.s32 $0xFFFFC000  }
0x142: {  	_ =	swait.ge [sflag:s24], $0x4000  }
0x143: {  	[sflag:s24] =	ssyncset.done $0x0  }
0x144: {  	[sflag:s24] =	ssyncadd.s32 $0xFFFFC000  }
0x145: {  	_ =	swait.ge [sflag:s29], $0x4000  }
0x146: {  	[sflag:s29] =	ssyncset.done $0x0  }
0x147: {  	[sflag:s29] =	ssyncadd.s32 $0xFFFFC000  }
0x148: {  	_ =	swait.ge [sflag:s30], $0x4000  }
0x149: {  	[sflag:s30] =	ssyncset.done $0x0  }
0x14a: {  	[sflag:s30] =	ssyncadd.s32 $0xFFFFC000  }
0x14b: {  	p0 =	sne.s32 s4, $0x1;
	_ =	swait.ge [sflag:s31], $0x4000  }
.Ltmp0:
0x14c: {  	[sflag:s31] =	ssyncset.done $0x0;
	(pc) =	sbr.rel @p0 .LBB2_1-.Ltmp0, $4  }
0x14d: {  	[sflag:s31] =	ssyncadd.s32 $0xFFFFC000  }
0x14e: {  	_ =	swait.ge [sflag:s0], $0x480  }
0x14f: {  	[sflag:s0] =	ssyncset.done $0x0  }
0x150: {  	s4 =	sadd.s32 $0xFFFFFFFF, s4;
	[sflag:s0] =	ssyncadd.s32 $0xFFFFFB80  }
0x151: {  	_ =	sfence.sel $0x180000  }
0x152: {  	[bflag:$0x0] =	sbarrier.arrive $0xFFFF  }
0x153: {  	_ =	strace $0x90000047  }
0x154: {  	s0 =	stileid.u32;
	[bflag:$0x2] =	sbarrier.arrive $0xFFFF  }
0x155: {  	p0 =	sne.s32 s0, $0x0;
	s0 =	rddreg [dreg:$0x3]  }
0x156: {  	s0 =	sadd.s32 @!p0 $0x100000, s0  }
0x157: {  	[sflag:s0] =	ssyncadd.tile.s32 @!p0 $0x1;
	_ =	shalt  }
.Lfunc_end2:
_tile_overlayer_lowered:
.L_overlay_start_2:
0x158: {  	(tag) =	ssettag $0x2  }
0x159: {  	s0 =	rddreg [dreg:$0x0];
	s2 =	stileid.u32  }
0x15a: {  	s1 =	rddreg [dreg:$0x1];
	p0 =	sne.s32 s2, $0x0  }
0x15b: {  	s3 =	rddreg [dreg:$0x2];
	[bflag:$0x3] =	sbarrier.arrive $0xFFFF;
	s2 =	simm.s32 @!p0 $0x1C0F  }
0x15c: {  	[timem:s3], [sflag:s2] =	dma.local @!p0 [hbm:s0], s1  }
0x15d: {  	s0 =	simm.s32 @!p0 $0xF  }
0x15e: {  	_ =	swait.ge @!p0 [sflag:s0], s1  }
0x15f: {  	s1 =	ssub.s32 @!p0 $0x0, s1;
	[sflag:s0] =	ssyncset.done @!p0 $0x0  }
0x160: {  	[sflag:s0] =	ssyncadd.s32 @!p0 s1  }
0x161: {  	[bflag:$0x3] =	sbarrier.arrive $0xFFFF  }
0x162: {  	_ =	shalt  }

</sc_bundles>
